<compile_context>
chip_gen: v7x
topology: tpu7x:2x2x1
jax: 0.10.2.dev20260603
libtpu: 0.0.44.dev20260713+nightly
codegen_flags: <defaults>
</compile_context>

<pallas_src>
import functools

import jax
import jax.numpy as jnp
from jax import lax
from jax.experimental import pallas as pl
from jax.experimental.pallas import tpu as pltpu
from jax.experimental.pallas import tpu_sc as plsc

N = 10000
E = 320000
D = 128

_INFO = plsc.get_sparse_core_info()
NC = _INFO.num_cores
NS = _INFO.num_subcores
NW = NC * NS
NP = 10240
CHUNK = 128
EPW = 10240
EP = NW * EPW
NCHUNK = EPW // CHUNK
RPT = NP // NS


def _sc_impl(x_hbm, src_hbm, dst_hbm, agg_out, cnt_out, rows_a, rows_b,
             sidx_a, sidx_b, didx, ones, zvec, agg_sh, cnt_sh, sem_ga,
             sem_gb, sem_ia, sem_ib, sem_sa, sem_sb, with_cnt):
    cid = lax.axis_index("c")
    sid = lax.axis_index("s")
    wid = sid * NC + cid
    base = wid * EPW

    def _zero_row(i, _):
        r = i // (D // 16)
        c = i % (D // 16)
        rows_a[r, pl.ds(c * 16, 16)] = jnp.zeros((16,), jnp.float32)
        return 0

    lax.fori_loop(0, CHUNK * (D // 16), _zero_row, 0)
    for k in range(RPT // CHUNK):
        pltpu.async_copy(rows_a.at[pl.ds(0, CHUNK)],
                         agg_sh.at[pl.ds(sid * RPT + k * CHUNK, CHUNK)],
                         sem_ga)
    for k in range(RPT // CHUNK):
        pltpu.make_async_copy(
            rows_a.at[pl.ds(0, CHUNK)],
            agg_sh.at[pl.ds(sid * RPT + k * CHUNK, CHUNK)], sem_ga).wait()

    def _idx_fire(j, _):
        pltpu.async_copy(dst_hbm.at[pl.ds(base + j * CHUNK, CHUNK)],
                         didx.at[j], sem_ia)
        return 0

    lax.fori_loop(0, NCHUNK, _idx_fire, 0)

    def _idx_drain(j, _):
        pltpu.make_async_copy(dst_hbm.at[pl.ds(base + j * CHUNK, CHUNK)],
                              didx.at[j], sem_ia).wait()
        return 0

    lax.fori_loop(0, NCHUNK, _idx_drain, 0)
    if with_cnt:
        def _init_ones(i, _):
            ones[pl.ds(i * 16, 16)] = jnp.ones((16,), jnp.float32)
            return 0

        lax.fori_loop(0, CHUNK // 16, _init_ones, 0)

        def _zero_zvec(i, _):
            zvec[pl.ds(i * 16, 16)] = jnp.zeros((16,), jnp.float32)
            return 0

        lax.fori_loop(0, RPT // 16, _zero_zvec, 0)
        pltpu.sync_copy(zvec, cnt_sh.at[pl.ds(sid * RPT, RPT)])

    plsc.subcore_barrier()

    def _src_dma(c, ref, sem):
        return pltpu.async_copy(src_hbm.at[pl.ds(base + c * CHUNK, CHUNK)],
                                ref, sem)

    def _src_wait(c, ref, sem):
        pltpu.make_async_copy(src_hbm.at[pl.ds(base + c * CHUNK, CHUNK)],
                              ref, sem).wait()

    def _scat_start(rows, c, sem):
        pltpu.async_copy(rows, agg_sh.at[didx.at[c]], sem, add=True)
        if with_cnt:
            pltpu.async_copy(ones, cnt_sh.at[didx.at[c]], sem, add=True)

    def _scat_wait(rows, c, sem):
        pltpu.make_async_copy(rows, agg_sh.at[didx.at[c]], sem).wait()
        if with_cnt:
            pltpu.make_async_copy(ones, cnt_sh.at[didx.at[c]],
                                  sem).wait()

    _src_dma(0, sidx_a, sem_ia)
    _src_wait(0, sidx_a, sem_ia)
    pltpu.async_copy(x_hbm.at[sidx_a], rows_a, sem_ga)
    _src_dma(1, sidx_b, sem_ib)
    _src_wait(1, sidx_b, sem_ib)
    pltpu.async_copy(x_hbm.at[sidx_b], rows_b, sem_gb)

    def _edge_pair(i, _):
        c = 2 * i
        pltpu.make_async_copy(x_hbm.at[sidx_a], rows_a, sem_ga).wait()
        _scat_start(rows_a, c, sem_sa)
        pltpu.make_async_copy(x_hbm.at[sidx_b], rows_b, sem_gb).wait()
        _scat_start(rows_b, c + 1, sem_sb)
        _src_dma(c + 2, sidx_a, sem_ia)
        _src_dma(c + 3, sidx_b, sem_ib)
        _scat_wait(rows_a, c, sem_sa)
        _src_wait(c + 2, sidx_a, sem_ia)
        pltpu.async_copy(x_hbm.at[sidx_a], rows_a, sem_ga)
        _scat_wait(rows_b, c + 1, sem_sb)
        _src_wait(c + 3, sidx_b, sem_ib)
        pltpu.async_copy(x_hbm.at[sidx_b], rows_b, sem_gb)
        return 0

    lax.fori_loop(0, NCHUNK // 2 - 1, _edge_pair, 0)
    c_last = NCHUNK - 2
    pltpu.make_async_copy(x_hbm.at[sidx_a], rows_a, sem_ga).wait()
    _scat_start(rows_a, c_last, sem_sa)
    pltpu.make_async_copy(x_hbm.at[sidx_b], rows_b, sem_gb).wait()
    _scat_start(rows_b, c_last + 1, sem_sb)
    _scat_wait(rows_a, c_last, sem_sa)
    _scat_wait(rows_b, c_last + 1, sem_sb)
    plsc.subcore_barrier()

    for k in range(RPT // CHUNK):
        r0 = sid * RPT + k * CHUNK
        pltpu.async_copy(agg_sh.at[pl.ds(r0, CHUNK)],
                         agg_out.at[cid, pl.ds(r0, CHUNK)], sem_ga)
    if with_cnt:
        pltpu.async_copy(cnt_sh.at[pl.ds(sid * RPT, RPT)],
                         cnt_out.at[cid, pl.ds(sid * RPT, RPT)], sem_gb)
    for k in range(RPT // CHUNK):
        r0 = sid * RPT + k * CHUNK
        pltpu.make_async_copy(agg_sh.at[pl.ds(r0, CHUNK)],
                              agg_out.at[cid, pl.ds(r0, CHUNK)],
                              sem_ga).wait()
    if with_cnt:
        pltpu.make_async_copy(cnt_sh.at[pl.ds(sid * RPT, RPT)],
                              cnt_out.at[cid, pl.ds(sid * RPT, RPT)],
                              sem_gb).wait()


def _sc_body_cnt(x_hbm, src_hbm, dst_hbm, agg_out, cnt_out, rows_a,
                 rows_b, sidx_a, sidx_b, didx, ones, zvec, agg_sh, cnt_sh,
                 sem_ga, sem_gb, sem_ia, sem_ib, sem_sa, sem_sb):
    _sc_impl(x_hbm, src_hbm, dst_hbm, agg_out, cnt_out, rows_a, rows_b,
             sidx_a, sidx_b, didx, ones, zvec, agg_sh, cnt_sh, sem_ga,
             sem_gb, sem_ia, sem_ib, sem_sa, sem_sb, True)


def _sc_body_plain(x_hbm, src_hbm, dst_hbm, agg_out, rows_a, rows_b,
                   sidx_a, sidx_b, didx, agg_sh, sem_ga, sem_gb, sem_ia,
                   sem_ib, sem_sa, sem_sb):
    _sc_impl(x_hbm, src_hbm, dst_hbm, agg_out, None, rows_a, rows_b,
             sidx_a, sidx_b, didx, None, None, agg_sh, None, sem_ga,
             sem_gb, sem_ia, sem_ib, sem_sa, sem_sb, False)


_MESH = plsc.VectorSubcoreMesh(core_axis_name="c", subcore_axis_name="s")

_sc_agg_cnt = pl.kernel(
    _sc_body_cnt,
    out_type=(jax.ShapeDtypeStruct((NC, NP, D), jnp.float32),
              jax.ShapeDtypeStruct((NC, NP), jnp.float32)),
    mesh=_MESH,
    scratch_types=[
        pltpu.VMEM((CHUNK, D), jnp.float32),
        pltpu.VMEM((CHUNK, D), jnp.float32),
        pltpu.VMEM((CHUNK,), jnp.int32),
        pltpu.VMEM((CHUNK,), jnp.int32),
        pltpu.VMEM((NCHUNK, CHUNK), jnp.int32),
        pltpu.VMEM((CHUNK,), jnp.float32),
        pltpu.VMEM((RPT,), jnp.float32),
        pltpu.VMEM_SHARED((NP, D), jnp.float32),
        pltpu.VMEM_SHARED((NP,), jnp.float32),
        pltpu.SemaphoreType.DMA,
        pltpu.SemaphoreType.DMA,
        pltpu.SemaphoreType.DMA,
        pltpu.SemaphoreType.DMA,
        pltpu.SemaphoreType.DMA,
        pltpu.SemaphoreType.DMA,
    ],
    name="sage_sc_agg_cnt",
)

_sc_agg = pl.kernel(
    _sc_body_plain,
    out_type=jax.ShapeDtypeStruct((NC, NP, D), jnp.float32),
    mesh=_MESH,
    scratch_types=[
        pltpu.VMEM((CHUNK, D), jnp.float32),
        pltpu.VMEM((CHUNK, D), jnp.float32),
        pltpu.VMEM((CHUNK,), jnp.int32),
        pltpu.VMEM((CHUNK,), jnp.int32),
        pltpu.VMEM((NCHUNK, CHUNK), jnp.int32),
        pltpu.VMEM_SHARED((NP, D), jnp.float32),
        pltpu.SemaphoreType.DMA,
        pltpu.SemaphoreType.DMA,
        pltpu.SemaphoreType.DMA,
        pltpu.SemaphoreType.DMA,
        pltpu.SemaphoreType.DMA,
        pltpu.SemaphoreType.DMA,
    ],
    name="sage_sc_agg",
)

ROWS_BLK = 1024


def _dense_body(agg_ref, cnt_ref, x_ref, wl_ref, bl_ref, wr_ref, out_ref,
                *, relu):
    agg = agg_ref[0] + agg_ref[1]
    cnt = (cnt_ref[0] + cnt_ref[1])[:, None]
    mean = agg / jnp.maximum(cnt, 1.0)
    acc = (jnp.dot(mean, wl_ref[...], preferred_element_type=jnp.float32)
           + jnp.dot(x_ref[...], wr_ref[...],
                     preferred_element_type=jnp.float32)
           + bl_ref[...])
    if relu:
        acc = jnp.maximum(acc, 0.0)
    out_ref[...] = acc


def _dense(aggp, cntp, x, wl_t, bl, wr_t, relu):
    grid = (NP // ROWS_BLK,)
    return pl.pallas_call(
        functools.partial(_dense_body, relu=relu),
        grid=grid,
        in_specs=[
            pl.BlockSpec((NC, ROWS_BLK, D), lambda i: (0, i, 0)),
            pl.BlockSpec((NC, ROWS_BLK), lambda i: (0, i)),
            pl.BlockSpec((ROWS_BLK, D), lambda i: (i, 0)),
            pl.BlockSpec((D, D), lambda i: (0, 0)),
            pl.BlockSpec((1, D), lambda i: (0, 0)),
            pl.BlockSpec((D, D), lambda i: (0, 0)),
        ],
        out_specs=pl.BlockSpec((ROWS_BLK, D), lambda i: (i, 0)),
        out_shape=jax.ShapeDtypeStruct((NP, D), jnp.float32),
    )(aggp, cntp, x, wl_t, bl, wr_t)


def kernel(x, edge_index, W1_l, b1_l, W1_r, W2_l, b2_l, W2_r):
    ei = edge_index.astype(jnp.int32)
    npad = EP - E
    pad_iota = jnp.arange(npad, dtype=jnp.int32)
    src = jnp.concatenate([ei[0], pad_iota % N])
    dst = jnp.concatenate([ei[1], N + pad_iota % (NP - N)])
    xp = jnp.pad(x, ((0, NP - N), (0, 0)))
    aggp1, cntp = _sc_agg_cnt(xp, src, dst)
    h = _dense(aggp1, cntp, xp, W1_l.T, b1_l.reshape(1, D), W1_r.T,
               relu=True)
    aggp2 = _sc_agg(h, src, dst)
    out = _dense(aggp2, cntp, h, W2_l.T, b2_l.reshape(1, D), W2_r.T,
                 relu=False)
    return out[:N]

# --- scband reference (transcript-rebuilt; emitter-appended) ---
"""Pipeline reference for scband-graph-sage-75033078661562 (READ-ONLY COPY).

The authoritative reference and input builder live on the scoring server;
editing this copy changes nothing except your own understanding.
"""

import jax, jax.numpy as jnp
import numpy as np

N_NODES = 10000
N_EDGES = 320000
D = 128


def _sage_conv(x, edge_index, W_l, b_l, W_r):
    # PyG SAGEConv with mean aggregation:
    #   out = lin_l(mean_{j in N(i)} x_j) + lin_r(x_i)
    src = edge_index[0]
    dst = edge_index[1]
    msg = x[src]
    agg = jax.ops.segment_sum(msg, dst, num_segments=x.shape[0])
    cnt = jax.ops.segment_sum(jnp.ones((msg.shape[0],), dtype=x.dtype), dst, num_segments=x.shape[0])
    mean = agg / jnp.maximum(cnt, 1.0)[:, None]
    return mean @ W_l.T + b_l + x @ W_r.T


def setup_inputs(seed: int = 0) -> dict:
    key = jax.random.key(seed)
    k = jax.random.split(key, 8)
    x = jax.random.normal(k[0], (N_NODES, D), dtype=jnp.float32)
    edge_index = jax.random.randint(k[1], (2, N_EDGES), 0, N_NODES, dtype=jnp.int64)
    s = 1.0 / np.sqrt(D)
    W1_l = jax.random.uniform(k[2], (D, D), dtype=jnp.float32, minval=-s, maxval=s)
    b1_l = jax.random.uniform(k[3], (D,), dtype=jnp.float32, minval=-s, maxval=s)
    W1_r = jax.random.uniform(k[4], (D, D), dtype=jnp.float32, minval=-s, maxval=s)
    W2_l = jax.random.uniform(k[5], (D, D), dtype=jnp.float32, minval=-s, maxval=s)
    b2_l = jax.random.uniform(k[6], (D,), dtype=jnp.float32, minval=-s, maxval=s)
    W2_r = jax.random.uniform(k[7], (D, D), dtype=jnp.float32, minval=-s, maxval=s)
    return {"x": x, "edge_index": edge_index, "W1_l": W1_l, "b1_l": b1_l, "W1_r": W1_r, "W2_l": W2_l, "b2_l": b2_l, "W2_r": W2_r}


def reference(x, edge_index, W1_l, b1_l, W1_r, W2_l, b2_l, W2_r):
    h = jax.nn.relu(_sage_conv(x, edge_index, W1_l, b1_l, W1_r))
    out = _sage_conv(h, edge_index, W2_l, b2_l, W2_r)
    return out

if __name__ == "__main__":
    import jax
    _d = setup_inputs()
    print(jax.jit(kernel)(*tuple(_d.values())))

</pallas_src>

<mosaic_0001>
#map = affine_map<(d0, d1) -> (0, 0)>
#map1 = affine_map<(d0, d1) -> (0)>
#map2 = affine_map<(d0, d1) -> (0, 0, 0)>
module attributes {stable_mosaic.version = 14 : i64} {
  func.func @sage_sc_agg(%arg0: i32, %arg1: i32, %arg2: memref<10240x128xf32, #tpu.memory_space<hbm>>, %arg3: memref<327680xi32, #tpu.memory_space<hbm>>, %arg4: memref<327680xi32, #tpu.memory_space<hbm>>, %arg5: memref<2x10240x128xf32, #tpu.memory_space<hbm>>, %arg6: memref<128x128xf32, #tpu.memory_space<vmem>>, %arg7: memref<128x128xf32, #tpu.memory_space<vmem>>, %arg8: memref<128xi32, #tpu.memory_space<vmem>>, %arg9: memref<128xi32, #tpu.memory_space<vmem>>, %arg10: memref<80x128xi32, #tpu.memory_space<vmem>>, %arg11: memref<10240x128xf32, #tpu.memory_space<vmem_shared>>, %arg12: memref<!tpu.dma_semaphore, #tpu.memory_space<semaphore_mem>>, %arg13: memref<!tpu.dma_semaphore, #tpu.memory_space<semaphore_mem>>, %arg14: memref<!tpu.dma_semaphore, #tpu.memory_space<semaphore_mem>>, %arg15: memref<!tpu.dma_semaphore, #tpu.memory_space<semaphore_mem>>, %arg16: memref<!tpu.dma_semaphore, #tpu.memory_space<semaphore_mem>>, %arg17: memref<!tpu.dma_semaphore, #tpu.memory_space<semaphore_mem>>) attributes {dimension_semantics = [#tpu.dimension_semantics<core_parallel>, #tpu.dimension_semantics<subcore_parallel>], iteration_bounds = array<i64: 2, 16>, scalar_prefetch = 0 : i64, scratch_operands = 12 : i64, tpu.core_type = #tpu.core_type<sc_vector_subcore>, window_params = [{transform_indices = #map}, {transform_indices = #map1}, {transform_indices = #map1}, {transform_indices = #map2}]} {
    %mul3A = arith.constant 2 : i32
    %mul3A_0 = arith.muli %arg1, %mul3A : i32
    %add3A = arith.addi %mul3A_0, %arg0 : i32
    %mul3A_1 = arith.constant 10240 : i32
    %mul3A_2 = arith.muli %add3A, %mul3A_1 : i32
    %scan3A = arith.constant 0 : i32
    %scan3A_3 = arith.constant 0 : i32
    %scan3A_4 = arith.constant 1024 : i32
    %scan3A_5 = arith.addi %scan3A_3, %scan3A_4 : i32
    %scan3A_6 = arith.constant 1 : i32
    %scan3A_7 = scf.for %scan3A_315 = %scan3A_3 to %scan3A_5 step %scan3A_6 iter_args(%scan3A_316 = %scan3A) -> (i32)  : i32 {
      %jit3A = arith.constant 8 : i32
      %div3A = arith.divsi %scan3A_315, %jit3A : i32
      %sign3A = arith.constant 0 : i32
      %sign3A_317 = arith.cmpi sgt, %scan3A_315, %sign3A : i32
      %sign3A_318 = arith.extui %sign3A_317 : i1 to i32
      %sign3A_319 = arith.constant 0 : i32
      %sign3A_320 = arith.cmpi slt, %scan3A_315, %sign3A_319 : i32
      %sign3A_321 = arith.extui %sign3A_320 : i1 to i32
      %sign3A_322 = arith.subi %sign3A_318, %sign3A_321 : i32
      %sign3A_323 = arith.constant 0 : i32
      %sign3A_324 = arith.cmpi sgt, %jit3A, %sign3A_323 : i32
      %sign3A_325 = arith.extui %sign3A_324 : i1 to i32
      %sign3A_326 = arith.constant 0 : i32
      %sign3A_327 = arith.cmpi slt, %jit3A, %sign3A_326 : i32
      %sign3A_328 = arith.extui %sign3A_327 : i1 to i32
      %sign3A_329 = arith.subi %sign3A_325, %sign3A_328 : i32
      %ne3A = arith.cmpi ne, %sign3A_322, %sign3A_329 : i32
      %rem3A = arith.remsi %scan3A_315, %jit3A : i32
      %ne3A_330 = arith.constant 0 : i32
      %ne3A_331 = arith.cmpi ne, %rem3A, %ne3A_330 : i32
      %and3A = arith.andi %ne3A, %ne3A_331 : i1
      %sub3A = arith.constant 1 : i32
      %sub3A_332 = arith.subi %div3A, %sub3A : i32
      %select_n3A = arith.select %and3A, %sub3A_332, %div3A : i32
      %jit3A_333 = arith.constant 8 : i32
      %eq3A = arith.constant 0 : i32
      %eq3A_334 = arith.cmpi eq, %jit3A_333, %eq3A : i32
      %jit3A_335 = arith.constant 1 : i32
      %select_n3A_336 = arith.select %eq3A_334, %jit3A_335, %jit3A_333 : i32
      %rem3A_337 = arith.remsi %scan3A_315, %select_n3A_336 : i32
      %ne3A_338 = arith.constant 0 : i32
      %ne3A_339 = arith.cmpi ne, %rem3A_337, %ne3A_338 : i32
      %lt3A = arith.constant 0 : i32
      %lt3A_340 = arith.cmpi slt, %rem3A_337, %lt3A : i32
      %lt3A_341 = arith.constant 0 : i32
      %lt3A_342 = arith.cmpi slt, %select_n3A_336, %lt3A_341 : i32
      %ne3A_343 = arith.xori %lt3A_340, %lt3A_342 : i1
      %and3A_344 = arith.andi %ne3A_343, %ne3A_339 : i1
      %add3A_345 = arith.addi %rem3A_337, %select_n3A_336 : i32
      %select_n3A_346 = arith.select %and3A_344, %add3A_345, %rem3A_337 : i32
      %broadcast_in_dim3A = arith.constant 0.000000e+00 : f32
      %broadcast_in_dim3A_347 = vector.broadcast %broadcast_in_dim3A : f32 to vector<16xf32>
      %mul3A_348 = arith.constant 16 : i32
      %mul3A_349 = arith.muli %select_n3A_346, %mul3A_348 : i32
      %swap3A = arith.index_cast %select_n3A : i32 to index
      %swap3A_350 = arith.index_cast %mul3A_349 : i32 to index
      %swap3A_351 = tpu.vector_load %arg6[%swap3A, %swap3A_350] {strides = array<i32>} : memref<128x128xf32, #tpu.memory_space<vmem>>, vector<1x16xf32>,
      %swap3A_352 = vector.shape_cast %swap3A_351 : vector<1x16xf32> to vector<16xf32>
      %swap3A_353 = vector.shape_cast %broadcast_in_dim3A_347 : vector<16xf32> to vector<1x16xf32>
      tpu.vector_store %arg6[%swap3A, %swap3A_350], %swap3A_353 {strides = array<i32>} : memref<128x128xf32, #tpu.memory_space<vmem>>, vector<1x16xf32>,
      %scan3A_354 = arith.constant 0 : i32
      scf.yield %scan3A_354 : i32
    }
    %scan3A_8 = arith.constant 1024 : i32
    %mul3A_9 = arith.constant 640 : i32
    %mul3A_10 = arith.muli %arg1, %mul3A_9 : i32
    %add3A_11 = arith.constant 0 : i32
    %add3A_12 = arith.addi %mul3A_10, %add3A_11 : i32
    %dma_start3A = arith.constant 0 : i32
    %dma_start3A_13 = arith.constant 0 : i32
    %dma_start3A_14 = tpu.memref_slice %arg6[%dma_start3A, %dma_start3A_13] : memref<128x128xf32, #tpu.memory_space<vmem>> -> memref<128x128xf32, #tpu.memory_space<vmem>>
    %dma_start3A_15 = arith.constant 0 : i32
    %dma_start3A_16 = tpu.memref_slice %arg11[%add3A_12, %dma_start3A_15] : memref<10240x128xf32, #tpu.memory_space<vmem_shared>> -> memref<128x128xf32, #tpu.memory_space<vmem_shared>>
    %dma_start3A_17 = arith.constant 0 : i32
    %dma_start3A_18 = tpu.memref_slice %arg11[%add3A_12, %dma_start3A_17] : memref<10240x128xf32, #tpu.memory_space<vmem_shared>> -> memref<128x128xf32, #tpu.memory_space<vmem_shared>>
    %dma_start3A_19 = arith.constant 0 : i32
    %dma_start3A_20 = arith.constant 0 : i32
    %dma_start3A_21 = tpu.memref_slice %arg6[%dma_start3A_19, %dma_start3A_20] : memref<128x128xf32, #tpu.memory_space<vmem>> -> memref<128x128xf32, #tpu.memory_space<vmem>>
    tpu.enqueue_dma source(%dma_start3A_21 : memref<128x128xf32, #tpu.memory_space<vmem>>) target(%dma_start3A_18 : memref<128x128xf32, #tpu.memory_space<vmem_shared>>) target_semaphore(%arg12 : memref<!tpu.dma_semaphore, #tpu.memory_space<semaphore_mem>>)
    %mul3A_22 = arith.constant 640 : i32
    %mul3A_23 = arith.muli %arg1, %mul3A_22 : i32
    %add3A_24 = arith.constant 128 : i32
    %add3A_25 = arith.addi %mul3A_23, %add3A_24 : i32
    %dma_start3A_26 = arith.constant 0 : i32
    %dma_start3A_27 = arith.constant 0 : i32
    %dma_start3A_28 = tpu.memref_slice %arg6[%dma_start3A_26, %dma_start3A_27] : memref<128x128xf32, #tpu.memory_space<vmem>> -> memref<128x128xf32, #tpu.memory_space<vmem>>
    %dma_start3A_29 = arith.constant 0 : i32
    %dma_start3A_30 = tpu.memref_slice %arg11[%add3A_25, %dma_start3A_29] : memref<10240x128xf32, #tpu.memory_space<vmem_shared>> -> memref<128x128xf32, #tpu.memory_space<vmem_shared>>
    %dma_start3A_31 = arith.constant 0 : i32
    %dma_start3A_32 = tpu.memref_slice %arg11[%add3A_25, %dma_start3A_31] : memref<10240x128xf32, #tpu.memory_space<vmem_shared>> -> memref<128x128xf32, #tpu.memory_space<vmem_shared>>
    %dma_start3A_33 = arith.constant 0 : i32
    %dma_start3A_34 = arith.constant 0 : i32
    %dma_start3A_35 = tpu.memref_slice %arg6[%dma_start3A_33, %dma_start3A_34] : memref<128x128xf32, #tpu.memory_space<vmem>> -> memref<128x128xf32, #tpu.memory_space<vmem>>
    tpu.enqueue_dma source(%dma_start3A_35 : memref<128x128xf32, #tpu.memory_space<vmem>>) target(%dma_start3A_32 : memref<128x128xf32, #tpu.memory_space<vmem_shared>>) target_semaphore(%arg12 : memref<!tpu.dma_semaphore, #tpu.memory_space<semaphore_mem>>)
    %mul3A_36 = arith.constant 640 : i32
    %mul3A_37 = arith.muli %arg1, %mul3A_36 : i32
    %add3A_38 = arith.constant 256 : i32
    %add3A_39 = arith.addi %mul3A_37, %add3A_38 : i32
    %dma_start3A_40 = arith.constant 0 : i32
    %dma_start3A_41 = arith.constant 0 : i32
    %dma_start3A_42 = tpu.memref_slice %arg6[%dma_start3A_40, %dma_start3A_41] : memref<128x128xf32, #tpu.memory_space<vmem>> -> memref<128x128xf32, #tpu.memory_space<vmem>>
    %dma_start3A_43 = arith.constant 0 : i32
    %dma_start3A_44 = tpu.memref_slice %arg11[%add3A_39, %dma_start3A_43] : memref<10240x128xf32, #tpu.memory_space<vmem_shared>> -> memref<128x128xf32, #tpu.memory_space<vmem_shared>>
    %dma_start3A_45 = arith.constant 0 : i32
    %dma_start3A_46 = tpu.memref_slice %arg11[%add3A_39, %dma_start3A_45] : memref<10240x128xf32, #tpu.memory_space<vmem_shared>> -> memref<128x128xf32, #tpu.memory_space<vmem_shared>>
    %dma_start3A_47 = arith.constant 0 : i32
    %dma_start3A_48 = arith.constant 0 : i32
    %dma_start3A_49 = tpu.memref_slice %arg6[%dma_start3A_47, %dma_start3A_48] : memref<128x128xf32, #tpu.memory_space<vmem>> -> memref<128x128xf32, #tpu.memory_space<vmem>>
    tpu.enqueue_dma source(%dma_start3A_49 : memref<128x128xf32, #tpu.memory_space<vmem>>) target(%dma_start3A_46 : memref<128x128xf32, #tpu.memory_space<vmem_shared>>) target_semaphore(%arg12 : memref<!tpu.dma_semaphore, #tpu.memory_space<semaphore_mem>>)
    %mul3A_50 = arith.constant 640 : i32
    %mul3A_51 = arith.muli %arg1, %mul3A_50 : i32
    %add3A_52 = arith.constant 384 : i32
    %add3A_53 = arith.addi %mul3A_51, %add3A_52 : i32
    %dma_start3A_54 = arith.constant 0 : i32
    %dma_start3A_55 = arith.constant 0 : i32
    %dma_start3A_56 = tpu.memref_slice %arg6[%dma_start3A_54, %dma_start3A_55] : memref<128x128xf32, #tpu.memory_space<vmem>> -> memref<128x128xf32, #tpu.memory_space<vmem>>
    %dma_start3A_57 = arith.constant 0 : i32
    %dma_start3A_58 = tpu.memref_slice %arg11[%add3A_53, %dma_start3A_57] : memref<10240x128xf32, #tpu.memory_space<vmem_shared>> -> memref<128x128xf32, #tpu.memory_space<vmem_shared>>
    %dma_start3A_59 = arith.constant 0 : i32
    %dma_start3A_60 = tpu.memref_slice %arg11[%add3A_53, %dma_start3A_59] : memref<10240x128xf32, #tpu.memory_space<vmem_shared>> -> memref<128x128xf32, #tpu.memory_space<vmem_shared>>
    %dma_start3A_61 = arith.constant 0 : i32
    %dma_start3A_62 = arith.constant 0 : i32
    %dma_start3A_63 = tpu.memref_slice %arg6[%dma_start3A_61, %dma_start3A_62] : memref<128x128xf32, #tpu.memory_space<vmem>> -> memref<128x128xf32, #tpu.memory_space<vmem>>
    tpu.enqueue_dma source(%dma_start3A_63 : memref<128x128xf32, #tpu.memory_space<vmem>>) target(%dma_start3A_60 : memref<128x128xf32, #tpu.memory_space<vmem_shared>>) target_semaphore(%arg12 : memref<!tpu.dma_semaphore, #tpu.memory_space<semaphore_mem>>)
    %mul3A_64 = arith.constant 640 : i32
    %mul3A_65 = arith.muli %arg1, %mul3A_64 : i32
    %add3A_66 = arith.constant 512 : i32
    %add3A_67 = arith.addi %mul3A_65, %add3A_66 : i32
    %dma_start3A_68 = arith.constant 0 : i32
    %dma_start3A_69 = arith.constant 0 : i32
    %dma_start3A_70 = tpu.memref_slice %arg6[%dma_start3A_68, %dma_start3A_69] : memref<128x128xf32, #tpu.memory_space<vmem>> -> memref<128x128xf32, #tpu.memory_space<vmem>>
    %dma_start3A_71 = arith.constant 0 : i32
    %dma_start3A_72 = tpu.memref_slice %arg11[%add3A_67, %dma_start3A_71] : memref<10240x128xf32, #tpu.memory_space<vmem_shared>> -> memref<128x128xf32, #tpu.memory_space<vmem_shared>>
    %dma_start3A_73 = arith.constant 0 : i32
    %dma_start3A_74 = tpu.memref_slice %arg11[%add3A_67, %dma_start3A_73] : memref<10240x128xf32, #tpu.memory_space<vmem_shared>> -> memref<128x128xf32, #tpu.memory_space<vmem_shared>>
    %dma_start3A_75 = arith.constant 0 : i32
    %dma_start3A_76 = arith.constant 0 : i32
    %dma_start3A_77 = tpu.memref_slice %arg6[%dma_start3A_75, %dma_start3A_76] : memref<128x128xf32, #tpu.memory_space<vmem>> -> memref<128x128xf32, #tpu.memory_space<vmem>>
    tpu.enqueue_dma source(%dma_start3A_77 : memref<128x128xf32, #tpu.memory_space<vmem>>) target(%dma_start3A_74 : memref<128x128xf32, #tpu.memory_space<vmem_shared>>) target_semaphore(%arg12 : memref<!tpu.dma_semaphore, #tpu.memory_space<semaphore_mem>>)
    %mul3A_78 = arith.constant 640 : i32
    %mul3A_79 = arith.muli %arg1, %mul3A_78 : i32
    %add3A_80 = arith.constant 0 : i32
    %add3A_81 = arith.addi %mul3A_79, %add3A_80 : i32
    %dma_wait3A = arith.constant 0 : i32
    %dma_wait3A_82 = arith.constant 0 : i32
    %dma_wait3A_83 = tpu.memref_slice %arg6[%dma_wait3A, %dma_wait3A_82] : memref<128x128xf32, #tpu.memory_space<vmem>> -> memref<128x128xf32, #tpu.memory_space<vmem>>
    %dma_wait3A_84 = arith.constant 0 : i32
    %dma_wait3A_85 = tpu.memref_slice %arg11[%add3A_81, %dma_wait3A_84] : memref<10240x128xf32, #tpu.memory_space<vmem_shared>> -> memref<128x128xf32, #tpu.memory_space<vmem_shared>>
    %dma_wait3A_86 = arith.constant 0 : i32
    %dma_wait3A_87 = tpu.memref_slice %arg11[%add3A_81, %dma_wait3A_86] : memref<10240x128xf32, #tpu.memory_space<vmem_shared>> -> memref<128x128xf32, #tpu.memory_space<vmem_shared>>
    %dma_wait3A_88 = arith.constant 0 : i32
    %dma_wait3A_89 = arith.constant 0 : i32
    %dma_wait3A_90 = tpu.memref_slice %arg6[%dma_wait3A_88, %dma_wait3A_89] : memref<128x128xf32, #tpu.memory_space<vmem>> -> memref<128x128xf32, #tpu.memory_space<vmem>>
    tpu.wait_dma2 semaphore(%arg12 : memref<!tpu.dma_semaphore, #tpu.memory_space<semaphore_mem>>) src(%dma_wait3A_90 : memref<128x128xf32, #tpu.memory_space<vmem>>) dst(%dma_wait3A_87 : memref<128x128xf32, #tpu.memory_space<vmem_shared>>)
    %mul3A_91 = arith.constant 640 : i32
    %mul3A_92 = arith.muli %arg1, %mul3A_91 : i32
    %add3A_93 = arith.constant 128 : i32
    %add3A_94 = arith.addi %mul3A_92, %add3A_93 : i32
    %dma_wait3A_95 = arith.constant 0 : i32
    %dma_wait3A_96 = arith.constant 0 : i32
    %dma_wait3A_97 = tpu.memref_slice %arg6[%dma_wait3A_95, %dma_wait3A_96] : memref<128x128xf32, #tpu.memory_space<vmem>> -> memref<128x128xf32, #tpu.memory_space<vmem>>
    %dma_wait3A_98 = arith.constant 0 : i32
    %dma_wait3A_99 = tpu.memref_slice %arg11[%add3A_94, %dma_wait3A_98] : memref<10240x128xf32, #tpu.memory_space<vmem_shared>> -> memref<128x128xf32, #tpu.memory_space<vmem_shared>>
    %dma_wait3A_100 = arith.constant 0 : i32
    %dma_wait3A_101 = tpu.memref_slice %arg11[%add3A_94, %dma_wait3A_100] : memref<10240x128xf32, #tpu.memory_space<vmem_shared>> -> memref<128x128xf32, #tpu.memory_space<vmem_shared>>
    %dma_wait3A_102 = arith.constant 0 : i32
    %dma_wait3A_103 = arith.constant 0 : i32
    %dma_wait3A_104 = tpu.memref_slice %arg6[%dma_wait3A_102, %dma_wait3A_103] : memref<128x128xf32, #tpu.memory_space<vmem>> -> memref<128x128xf32, #tpu.memory_space<vmem>>
    tpu.wait_dma2 semaphore(%arg12 : memref<!tpu.dma_semaphore, #tpu.memory_space<semaphore_mem>>) src(%dma_wait3A_104 : memref<128x128xf32, #tpu.memory_space<vmem>>) dst(%dma_wait3A_101 : memref<128x128xf32, #tpu.memory_space<vmem_shared>>)
    %mul3A_105 = arith.constant 640 : i32
    %mul3A_106 = arith.muli %arg1, %mul3A_105 : i32
    %add3A_107 = arith.constant 256 : i32
    %add3A_108 = arith.addi %mul3A_106, %add3A_107 : i32
    %dma_wait3A_109 = arith.constant 0 : i32
    %dma_wait3A_110 = arith.constant 0 : i32
    %dma_wait3A_111 = tpu.memref_slice %arg6[%dma_wait3A_109, %dma_wait3A_110] : memref<128x128xf32, #tpu.memory_space<vmem>> -> memref<128x128xf32, #tpu.memory_space<vmem>>
    %dma_wait3A_112 = arith.constant 0 : i32
    %dma_wait3A_113 = tpu.memref_slice %arg11[%add3A_108, %dma_wait3A_112] : memref<10240x128xf32, #tpu.memory_space<vmem_shared>> -> memref<128x128xf32, #tpu.memory_space<vmem_shared>>
    %dma_wait3A_114 = arith.constant 0 : i32
    %dma_wait3A_115 = tpu.memref_slice %arg11[%add3A_108, %dma_wait3A_114] : memref<10240x128xf32, #tpu.memory_space<vmem_shared>> -> memref<128x128xf32, #tpu.memory_space<vmem_shared>>
    %dma_wait3A_116 = arith.constant 0 : i32
    %dma_wait3A_117 = arith.constant 0 : i32
    %dma_wait3A_118 = tpu.memref_slice %arg6[%dma_wait3A_116, %dma_wait3A_117] : memref<128x128xf32, #tpu.memory_space<vmem>> -> memref<128x128xf32, #tpu.memory_space<vmem>>
    tpu.wait_dma2 semaphore(%arg12 : memref<!tpu.dma_semaphore, #tpu.memory_space<semaphore_mem>>) src(%dma_wait3A_118 : memref<128x128xf32, #tpu.memory_space<vmem>>) dst(%dma_wait3A_115 : memref<128x128xf32, #tpu.memory_space<vmem_shared>>)
    %mul3A_119 = arith.constant 640 : i32
    %mul3A_120 = arith.muli %arg1, %mul3A_119 : i32
    %add3A_121 = arith.constant 384 : i32
    %add3A_122 = arith.addi %mul3A_120, %add3A_121 : i32
    %dma_wait3A_123 = arith.constant 0 : i32
    %dma_wait3A_124 = arith.constant 0 : i32
    %dma_wait3A_125 = tpu.memref_slice %arg6[%dma_wait3A_123, %dma_wait3A_124] : memref<128x128xf32, #tpu.memory_space<vmem>> -> memref<128x128xf32, #tpu.memory_space<vmem>>
    %dma_wait3A_126 = arith.constant 0 : i32
    %dma_wait3A_127 = tpu.memref_slice %arg11[%add3A_122, %dma_wait3A_126] : memref<10240x128xf32, #tpu.memory_space<vmem_shared>> -> memref<128x128xf32, #tpu.memory_space<vmem_shared>>
    %dma_wait3A_128 = arith.constant 0 : i32
    %dma_wait3A_129 = tpu.memref_slice %arg11[%add3A_122, %dma_wait3A_128] : memref<10240x128xf32, #tpu.memory_space<vmem_shared>> -> memref<128x128xf32, #tpu.memory_space<vmem_shared>>
    %dma_wait3A_130 = arith.constant 0 : i32
    %dma_wait3A_131 = arith.constant 0 : i32
    %dma_wait3A_132 = tpu.memref_slice %arg6[%dma_wait3A_130, %dma_wait3A_131] : memref<128x128xf32, #tpu.memory_space<vmem>> -> memref<128x128xf32, #tpu.memory_space<vmem>>
    tpu.wait_dma2 semaphore(%arg12 : memref<!tpu.dma_semaphore, #tpu.memory_space<semaphore_mem>>) src(%dma_wait3A_132 : memref<128x128xf32, #tpu.memory_space<vmem>>) dst(%dma_wait3A_129 : memref<128x128xf32, #tpu.memory_space<vmem_shared>>)
    %mul3A_133 = arith.constant 640 : i32
    %mul3A_134 = arith.muli %arg1, %mul3A_133 : i32
    %add3A_135 = arith.constant 512 : i32
    %add3A_136 = arith.addi %mul3A_134, %add3A_135 : i32
    %dma_wait3A_137 = arith.constant 0 : i32
    %dma_wait3A_138 = arith.constant 0 : i32
    %dma_wait3A_139 = tpu.memref_slice %arg6[%dma_wait3A_137, %dma_wait3A_138] : memref<128x128xf32, #tpu.memory_space<vmem>> -> memref<128x128xf32, #tpu.memory_space<vmem>>
    %dma_wait3A_140 = arith.constant 0 : i32
    %dma_wait3A_141 = tpu.memref_slice %arg11[%add3A_136, %dma_wait3A_140] : memref<10240x128xf32, #tpu.memory_space<vmem_shared>> -> memref<128x128xf32, #tpu.memory_space<vmem_shared>>
    %dma_wait3A_142 = arith.constant 0 : i32
    %dma_wait3A_143 = tpu.memref_slice %arg11[%add3A_136, %dma_wait3A_142] : memref<10240x128xf32, #tpu.memory_space<vmem_shared>> -> memref<128x128xf32, #tpu.memory_space<vmem_shared>>
    %dma_wait3A_144 = arith.constant 0 : i32
    %dma_wait3A_145 = arith.constant 0 : i32
    %dma_wait3A_146 = tpu.memref_slice %arg6[%dma_wait3A_144, %dma_wait3A_145] : memref<128x128xf32, #tpu.memory_space<vmem>> -> memref<128x128xf32, #tpu.memory_space<vmem>>
    tpu.wait_dma2 semaphore(%arg12 : memref<!tpu.dma_semaphore, #tpu.memory_space<semaphore_mem>>) src(%dma_wait3A_146 : memref<128x128xf32, #tpu.memory_space<vmem>>) dst(%dma_wait3A_143 : memref<128x128xf32, #tpu.memory_space<vmem_shared>>)
    %scan3A_147 = arith.constant 0 : i32
    %scan3A_148 = arith.constant 0 : i32
    %scan3A_149 = arith.constant 80 : i32
    %scan3A_150 = arith.addi %scan3A_148, %scan3A_149 : i32
    %scan3A_151 = arith.constant 1 : i32
    %scan3A_152 = scf.for %scan3A_315 = %scan3A_148 to %scan3A_150 step %scan3A_151 iter_args(%scan3A_316 = %scan3A_147) -> (i32)  : i32 {
      %mul3A_317 = arith.constant 128 : i32
      %mul3A_318 = arith.muli %scan3A_315, %mul3A_317 : i32
      %add3A_319 = arith.addi %mul3A_2, %mul3A_318 : i32
      %dma_start3A_320 = arith.constant 0 : i32
      %dma_start3A_321 = tpu.memref_slice %arg10[%scan3A_315, %dma_start3A_320] : memref<80x128xi32, #tpu.memory_space<vmem>> -> memref<1x128xi32, #tpu.memory_space<vmem>>
      %dma_start3A_322 = tpu.memref_squeeze %dma_start3A_321 : memref<1x128xi32, #tpu.memory_space<vmem>> -> memref<128xi32, #tpu.memory_space<vmem>>
      %dma_start3A_323 = tpu.memref_slice %arg4[%add3A_319] : memref<327680xi32, #tpu.memory_space<hbm>> -> memref<128xi32, #tpu.memory_space<hbm>>
      %dma_start3A_324 = arith.constant 0 : i32
      %dma_start3A_325 = tpu.memref_slice %arg10[%scan3A_315, %dma_start3A_324] : memref<80x128xi32, #tpu.memory_space<vmem>> -> memref<1x128xi32, #tpu.memory_space<vmem>>
      %dma_start3A_326 = tpu.memref_squeeze %dma_start3A_325 : memref<1x128xi32, #tpu.memory_space<vmem>> -> memref<128xi32, #tpu.memory_space<vmem>>
      %dma_start3A_327 = tpu.memref_slice %arg4[%add3A_319] : memref<327680xi32, #tpu.memory_space<hbm>> -> memref<128xi32, #tpu.memory_space<hbm>>
      tpu.enqueue_dma source(%dma_start3A_327 : memref<128xi32, #tpu.memory_space<hbm>>) target(%dma_start3A_326 : memref<128xi32, #tpu.memory_space<vmem>>) target_semaphore(%arg14 : memref<!tpu.dma_semaphore, #tpu.memory_space<semaphore_mem>>)
      %scan3A_328 = arith.constant 0 : i32
      scf.yield %scan3A_328 : i32
    }
    %scan3A_153 = arith.constant 80 : i32
    %scan3A_154 = arith.constant 0 : i32
    %scan3A_155 = arith.constant 0 : i32
    %scan3A_156 = arith.constant 80 : i32
    %scan3A_157 = arith.addi %scan3A_155, %scan3A_156 : i32
    %scan3A_158 = arith.constant 1 : i32
    %scan3A_159 = scf.for %scan3A_315 = %scan3A_155 to %scan3A_157 step %scan3A_158 iter_args(%scan3A_316 = %scan3A_154) -> (i32)  : i32 {
      %mul3A_317 = arith.constant 128 : i32
      %mul3A_318 = arith.muli %scan3A_315, %mul3A_317 : i32
      %add3A_319 = arith.addi %mul3A_2, %mul3A_318 : i32
      %dma_wait3A_320 = arith.constant 0 : i32
      %dma_wait3A_321 = tpu.memref_slice %arg10[%scan3A_315, %dma_wait3A_320] : memref<80x128xi32, #tpu.memory_space<vmem>> -> memref<1x128xi32, #tpu.memory_space<vmem>>
      %dma_wait3A_322 = tpu.memref_squeeze %dma_wait3A_321 : memref<1x128xi32, #tpu.memory_space<vmem>> -> memref<128xi32, #tpu.memory_space<vmem>>
      %dma_wait3A_323 = tpu.memref_slice %arg4[%add3A_319] : memref<327680xi32, #tpu.memory_space<hbm>> -> memref<128xi32, #tpu.memory_space<hbm>>
      %dma_wait3A_324 = arith.constant 0 : i32
      %dma_wait3A_325 = tpu.memref_slice %arg10[%scan3A_315, %dma_wait3A_324] : memref<80x128xi32, #tpu.memory_space<vmem>> -> memref<1x128xi32, #tpu.memory_space<vmem>>
      %dma_wait3A_326 = tpu.memref_squeeze %dma_wait3A_325 : memref<1x128xi32, #tpu.memory_space<vmem>> -> memref<128xi32, #tpu.memory_space<vmem>>
      %dma_wait3A_327 = tpu.memref_slice %arg4[%add3A_319] : memref<327680xi32, #tpu.memory_space<hbm>> -> memref<128xi32, #tpu.memory_space<hbm>>
      tpu.wait_dma2 semaphore(%arg14 : memref<!tpu.dma_semaphore, #tpu.memory_space<semaphore_mem>>) src(%dma_wait3A_327 : memref<128xi32, #tpu.memory_space<hbm>>) dst(%dma_wait3A_326 : memref<128xi32, #tpu.memory_space<vmem>>)
      %scan3A_328 = arith.constant 0 : i32
      scf.yield %scan3A_328 : i32
    }
    %scan3A_160 = arith.constant 80 : i32
    %barrier3A = arith.constant 0 : index
    tpu.barrier barrier_id(%barrier3A)
    %add3A_161 = arith.constant 0 : i32
    %add3A_162 = arith.addi %mul3A_2, %add3A_161 : i32
    %dma_start3A_163 = tpu.memref_slice %arg3[%add3A_162] : memref<327680xi32, #tpu.memory_space<hbm>> -> memref<128xi32, #tpu.memory_space<hbm>>
    %dma_start3A_164 = tpu.memref_slice %arg3[%add3A_162] : memref<327680xi32, #tpu.memory_space<hbm>> -> memref<128xi32, #tpu.memory_space<hbm>>
    tpu.enqueue_dma source(%dma_start3A_164 : memref<128xi32, #tpu.memory_space<hbm>>) target(%arg8 : memref<128xi32, #tpu.memory_space<vmem>>) target_semaphore(%arg14 : memref<!tpu.dma_semaphore, #tpu.memory_space<semaphore_mem>>)
    %add3A_165 = arith.constant 0 : i32
    %add3A_166 = arith.addi %mul3A_2, %add3A_165 : i32
    %dma_wait3A_167 = tpu.memref_slice %arg3[%add3A_166] : memref<327680xi32, #tpu.memory_space<hbm>> -> memref<128xi32, #tpu.memory_space<hbm>>
    %dma_wait3A_168 = tpu.memref_slice %arg3[%add3A_166] : memref<327680xi32, #tpu.memory_space<hbm>> -> memref<128xi32, #tpu.memory_space<hbm>>
    tpu.wait_dma2 semaphore(%arg14 : memref<!tpu.dma_semaphore, #tpu.memory_space<semaphore_mem>>) src(%dma_wait3A_168 : memref<128xi32, #tpu.memory_space<hbm>>) dst(%arg8 : memref<128xi32, #tpu.memory_space<vmem>>)
    %dma_start3A_169 = arith.constant 0 : i32
    %dma_start3A_170 = arith.constant 0 : i32
    %dma_start3A_171 = tpu.memref_slice %arg2[%dma_start3A_169, %dma_start3A_170] : memref<10240x128xf32, #tpu.memory_space<hbm>> -> memref<10240x128xf32, #tpu.memory_space<hbm>>
    tpu.enqueue_indirect_dma source(%dma_start3A_171 : memref<10240x128xf32, #tpu.memory_space<hbm>>) target(%arg6 : memref<128x128xf32, #tpu.memory_space<vmem>>) offsets(%arg8 : memref<128xi32, #tpu.memory_space<vmem>>) semaphore(%arg12 : memref<!tpu.dma_semaphore, #tpu.memory_space<semaphore_mem>>)
    %add3A_172 = arith.constant 128 : i32
    %add3A_173 = arith.addi %mul3A_2, %add3A_172 : i32
    %dma_start3A_174 = tpu.memref_slice %arg3[%add3A_173] : memref<327680xi32, #tpu.memory_space<hbm>> -> memref<128xi32, #tpu.memory_space<hbm>>
    %dma_start3A_175 = tpu.memref_slice %arg3[%add3A_173] : memref<327680xi32, #tpu.memory_space<hbm>> -> memref<128xi32, #tpu.memory_space<hbm>>
    tpu.enqueue_dma source(%dma_start3A_175 : memref<128xi32, #tpu.memory_space<hbm>>) target(%arg9 : memref<128xi32, #tpu.memory_space<vmem>>) target_semaphore(%arg15 : memref<!tpu.dma_semaphore, #tpu.memory_space<semaphore_mem>>)
    %add3A_176 = arith.constant 128 : i32
    %add3A_177 = arith.addi %mul3A_2, %add3A_176 : i32
    %dma_wait3A_178 = tpu.memref_slice %arg3[%add3A_177] : memref<327680xi32, #tpu.memory_space<hbm>> -> memref<128xi32, #tpu.memory_space<hbm>>
    %dma_wait3A_179 = tpu.memref_slice %arg3[%add3A_177] : memref<327680xi32, #tpu.memory_space<hbm>> -> memref<128xi32, #tpu.memory_space<hbm>>
    tpu.wait_dma2 semaphore(%arg15 : memref<!tpu.dma_semaphore, #tpu.memory_space<semaphore_mem>>) src(%dma_wait3A_179 : memref<128xi32, #tpu.memory_space<hbm>>) dst(%arg9 : memref<128xi32, #tpu.memory_space<vmem>>)
    %dma_start3A_180 = arith.constant 0 : i32
    %dma_start3A_181 = arith.constant 0 : i32
    %dma_start3A_182 = tpu.memref_slice %arg2[%dma_start3A_180, %dma_start3A_181] : memref<10240x128xf32, #tpu.memory_space<hbm>> -> memref<10240x128xf32, #tpu.memory_space<hbm>>
    tpu.enqueue_indirect_dma source(%dma_start3A_182 : memref<10240x128xf32, #tpu.memory_space<hbm>>) target(%arg7 : memref<128x128xf32, #tpu.memory_space<vmem>>) offsets(%arg9 : memref<128xi32, #tpu.memory_space<vmem>>) semaphore(%arg13 : memref<!tpu.dma_semaphore, #tpu.memory_space<semaphore_mem>>)
    %scan3A_183 = arith.constant 0 : i32
    %scan3A_184 = arith.constant 0 : i32
    %scan3A_185 = arith.constant 39 : i32
    %scan3A_186 = arith.addi %scan3A_184, %scan3A_185 : i32
    %scan3A_187 = arith.constant 1 : i32
    %scan3A_188 = scf.for %scan3A_315 = %scan3A_184 to %scan3A_186 step %scan3A_187 iter_args(%scan3A_316 = %scan3A_183) -> (i32)  : i32 {
      %mul3A_317 = arith.constant 2 : i32
      %mul3A_318 = arith.muli %mul3A_317, %scan3A_315 : i32
      %dma_wait3A_319 = arith.constant 0 : i32
      %dma_wait3A_320 = arith.constant 0 : i32
      %dma_wait3A_321 = tpu.memref_slice %arg2[%dma_wait3A_319, %dma_wait3A_320] : memref<10240x128xf32, #tpu.memory_space<hbm>> -> memref<10240x128xf32, #tpu.memory_space<hbm>>
      tpu.wait_indirect_dma semaphore(%arg12 : memref<!tpu.dma_semaphore, #tpu.memory_space<semaphore_mem>>) src(%dma_wait3A_321 : memref<10240x128xf32, #tpu.memory_space<hbm>>) dst(%arg6 : memref<128x128xf32, #tpu.memory_space<vmem>>)
      %dma_start3A_322 = arith.constant 0 : i32
      %dma_start3A_323 = tpu.memref_slice %arg10[%mul3A_318, %dma_start3A_322] : memref<80x128xi32, #tpu.memory_space<vmem>> -> memref<1x128xi32, #tpu.memory_space<vmem>>
      %dma_start3A_324 = tpu.memref_squeeze %dma_start3A_323 : memref<1x128xi32, #tpu.memory_space<vmem>> -> memref<128xi32, #tpu.memory_space<vmem>>
      %dma_start3A_325 = arith.constant 0 : i32
      %dma_start3A_326 = arith.constant 0 : i32
      %dma_start3A_327 = tpu.memref_slice %arg11[%dma_start3A_325, %dma_start3A_326] : memref<10240x128xf32, #tpu.memory_space<vmem_shared>> -> memref<10240x128xf32, #tpu.memory_space<vmem_shared>>
      tpu.enqueue_indirect_dma source(%arg6 : memref<128x128xf32, #tpu.memory_space<vmem>>) target(%dma_start3A_327 : memref<10240x128xf32, #tpu.memory_space<vmem_shared>>) offsets(%dma_start3A_324 : memref<128xi32, #tpu.memory_space<vmem>>) semaphore(%arg16 : memref<!tpu.dma_semaphore, #tpu.memory_space<semaphore_mem>>) {add = true}
      %dma_wait3A_328 = arith.constant 0 : i32
      %dma_wait3A_329 = arith.constant 0 : i32
      %dma_wait3A_330 = tpu.memref_slice %arg2[%dma_wait3A_328, %dma_wait3A_329] : memref<10240x128xf32, #tpu.memory_space<hbm>> -> memref<10240x128xf32, #tpu.memory_space<hbm>>
      tpu.wait_indirect_dma semaphore(%arg13 : memref<!tpu.dma_semaphore, #tpu.memory_space<semaphore_mem>>) src(%dma_wait3A_330 : memref<10240x128xf32, #tpu.memory_space<hbm>>) dst(%arg7 : memref<128x128xf32, #tpu.memory_space<vmem>>)
      %add3A_331 = arith.constant 1 : i32
      %add3A_332 = arith.addi %mul3A_318, %add3A_331 : i32
      %dma_start3A_333 = arith.constant 0 : i32
      %dma_start3A_334 = tpu.memref_slice %arg10[%add3A_332, %dma_start3A_333] : memref<80x128xi32, #tpu.memory_space<vmem>> -> memref<1x128xi32, #tpu.memory_space<vmem>>
      %dma_start3A_335 = tpu.memref_squeeze %dma_start3A_334 : memref<1x128xi32, #tpu.memory_space<vmem>> -> memref<128xi32, #tpu.memory_space<vmem>>
      %dma_start3A_336 = arith.constant 0 : i32
      %dma_start3A_337 = arith.constant 0 : i32
      %dma_start3A_338 = tpu.memref_slice %arg11[%dma_start3A_336, %dma_start3A_337] : memref<10240x128xf32, #tpu.memory_space<vmem_shared>> -> memref<10240x128xf32, #tpu.memory_space<vmem_shared>>
      tpu.enqueue_indirect_dma source(%arg7 : memref<128x128xf32, #tpu.memory_space<vmem>>) target(%dma_start3A_338 : memref<10240x128xf32, #tpu.memory_space<vmem_shared>>) offsets(%dma_start3A_335 : memref<128xi32, #tpu.memory_space<vmem>>) semaphore(%arg17 : memref<!tpu.dma_semaphore, #tpu.memory_space<semaphore_mem>>) {add = true}
      %add3A_339 = arith.constant 2 : i32
      %add3A_340 = arith.addi %mul3A_318, %add3A_339 : i32
      %mul3A_341 = arith.constant 128 : i32
      %mul3A_342 = arith.muli %add3A_340, %mul3A_341 : i32
      %add3A_343 = arith.addi %mul3A_2, %mul3A_342 : i32
      %dma_start3A_344 = tpu.memref_slice %arg3[%add3A_343] : memref<327680xi32, #tpu.memory_space<hbm>> -> memref<128xi32, #tpu.memory_space<hbm>>
      %dma_start3A_345 = tpu.memref_slice %arg3[%add3A_343] : memref<327680xi32, #tpu.memory_space<hbm>> -> memref<128xi32, #tpu.memory_space<hbm>>
      tpu.enqueue_dma source(%dma_start3A_345 : memref<128xi32, #tpu.memory_space<hbm>>) target(%arg8 : memref<128xi32, #tpu.memory_space<vmem>>) target_semaphore(%arg14 : memref<!tpu.dma_semaphore, #tpu.memory_space<semaphore_mem>>)
      %add3A_346 = arith.constant 3 : i32
      %add3A_347 = arith.addi %mul3A_318, %add3A_346 : i32
      %mul3A_348 = arith.constant 128 : i32
      %mul3A_349 = arith.muli %add3A_347, %mul3A_348 : i32
      %add3A_350 = arith.addi %mul3A_2, %mul3A_349 : i32
      %dma_start3A_351 = tpu.memref_slice %arg3[%add3A_350] : memref<327680xi32, #tpu.memory_space<hbm>> -> memref<128xi32, #tpu.memory_space<hbm>>
      %dma_start3A_352 = tpu.memref_slice %arg3[%add3A_350] : memref<327680xi32, #tpu.memory_space<hbm>> -> memref<128xi32, #tpu.memory_space<hbm>>
      tpu.enqueue_dma source(%dma_start3A_352 : memref<128xi32, #tpu.memory_space<hbm>>) target(%arg9 : memref<128xi32, #tpu.memory_space<vmem>>) target_semaphore(%arg15 : memref<!tpu.dma_semaphore, #tpu.memory_space<semaphore_mem>>)
      %dma_wait3A_353 = arith.constant 0 : i32
      %dma_wait3A_354 = tpu.memref_slice %arg10[%mul3A_318, %dma_wait3A_353] : memref<80x128xi32, #tpu.memory_space<vmem>> -> memref<1x128xi32, #tpu.memory_space<vmem>>
      %dma_wait3A_355 = tpu.memref_squeeze %dma_wait3A_354 : memref<1x128xi32, #tpu.memory_space<vmem>> -> memref<128xi32, #tpu.memory_space<vmem>>
      %dma_wait3A_356 = arith.constant 0 : i32
      %dma_wait3A_357 = arith.constant 0 : i32
      %dma_wait3A_358 = tpu.memref_slice %arg11[%dma_wait3A_356, %dma_wait3A_357] : memref<10240x128xf32, #tpu.memory_space<vmem_shared>> -> memref<10240x128xf32, #tpu.memory_space<vmem_shared>>
      tpu.wait_indirect_dma semaphore(%arg16 : memref<!tpu.dma_semaphore, #tpu.memory_space<semaphore_mem>>) src(%arg6 : memref<128x128xf32, #tpu.memory_space<vmem>>) dst(%dma_wait3A_358 : memref<10240x128xf32, #tpu.memory_space<vmem_shared>>)
      %add3A_359 = arith.constant 2 : i32
      %add3A_360 = arith.addi %mul3A_318, %add3A_359 : i32
      %mul3A_361 = arith.constant 128 : i32
      %mul3A_362 = arith.muli %add3A_360, %mul3A_361 : i32
      %add3A_363 = arith.addi %mul3A_2, %mul3A_362 : i32
      %dma_wait3A_364 = tpu.memref_slice %arg3[%add3A_363] : memref<327680xi32, #tpu.memory_space<hbm>> -> memref<128xi32, #tpu.memory_space<hbm>>
      %dma_wait3A_365 = tpu.memref_slice %arg3[%add3A_363] : memref<327680xi32, #tpu.memory_space<hbm>> -> memref<128xi32, #tpu.memory_space<hbm>>
      tpu.wait_dma2 semaphore(%arg14 : memref<!tpu.dma_semaphore, #tpu.memory_space<semaphore_mem>>) src(%dma_wait3A_365 : memref<128xi32, #tpu.memory_space<hbm>>) dst(%arg8 : memref<128xi32, #tpu.memory_space<vmem>>)
      %dma_start3A_366 = arith.constant 0 : i32
      %dma_start3A_367 = arith.constant 0 : i32
      %dma_start3A_368 = tpu.memref_slice %arg2[%dma_start3A_366, %dma_start3A_367] : memref<10240x128xf32, #tpu.memory_space<hbm>> -> memref<10240x128xf32, #tpu.memory_space<hbm>>
      tpu.enqueue_indirect_dma source(%dma_start3A_368 : memref<10240x128xf32, #tpu.memory_space<hbm>>) target(%arg6 : memref<128x128xf32, #tpu.memory_space<vmem>>) offsets(%arg8 : memref<128xi32, #tpu.memory_space<vmem>>) semaphore(%arg12 : memref<!tpu.dma_semaphore, #tpu.memory_space<semaphore_mem>>)
      %add3A_369 = arith.constant 1 : i32
      %add3A_370 = arith.addi %mul3A_318, %add3A_369 : i32
      %dma_wait3A_371 = arith.constant 0 : i32
      %dma_wait3A_372 = tpu.memref_slice %arg10[%add3A_370, %dma_wait3A_371] : memref<80x128xi32, #tpu.memory_space<vmem>> -> memref<1x128xi32, #tpu.memory_space<vmem>>
      %dma_wait3A_373 = tpu.memref_squeeze %dma_wait3A_372 : memref<1x128xi32, #tpu.memory_space<vmem>> -> memref<128xi32, #tpu.memory_space<vmem>>
      %dma_wait3A_374 = arith.constant 0 : i32
      %dma_wait3A_375 = arith.constant 0 : i32
      %dma_wait3A_376 = tpu.memref_slice %arg11[%dma_wait3A_374, %dma_wait3A_375] : memref<10240x128xf32, #tpu.memory_space<vmem_shared>> -> memref<10240x128xf32, #tpu.memory_space<vmem_shared>>
      tpu.wait_indirect_dma semaphore(%arg17 : memref<!tpu.dma_semaphore, #tpu.memory_space<semaphore_mem>>) src(%arg7 : memref<128x128xf32, #tpu.memory_space<vmem>>) dst(%dma_wait3A_376 : memref<10240x128xf32, #tpu.memory_space<vmem_shared>>)
      %add3A_377 = arith.constant 3 : i32
      %add3A_378 = arith.addi %mul3A_318, %add3A_377 : i32
      %mul3A_379 = arith.constant 128 : i32
      %mul3A_380 = arith.muli %add3A_378, %mul3A_379 : i32
      %add3A_381 = arith.addi %mul3A_2, %mul3A_380 : i32
      %dma_wait3A_382 = tpu.memref_slice %arg3[%add3A_381] : memref<327680xi32, #tpu.memory_space<hbm>> -> memref<128xi32, #tpu.memory_space<hbm>>
      %dma_wait3A_383 = tpu.memref_slice %arg3[%add3A_381] : memref<327680xi32, #tpu.memory_space<hbm>> -> memref<128xi32, #tpu.memory_space<hbm>>
      tpu.wait_dma2 semaphore(%arg15 : memref<!tpu.dma_semaphore, #tpu.memory_space<semaphore_mem>>) src(%dma_wait3A_383 : memref<128xi32, #tpu.memory_space<hbm>>) dst(%arg9 : memref<128xi32, #tpu.memory_space<vmem>>)
      %dma_start3A_384 = arith.constant 0 : i32
      %dma_start3A_385 = arith.constant 0 : i32
      %dma_start3A_386 = tpu.memref_slice %arg2[%dma_start3A_384, %dma_start3A_385] : memref<10240x128xf32, #tpu.memory_space<hbm>> -> memref<10240x128xf32, #tpu.memory_space<hbm>>
      tpu.enqueue_indirect_dma source(%dma_start3A_386 : memref<10240x128xf32, #tpu.memory_space<hbm>>) target(%arg7 : memref<128x128xf32, #tpu.memory_space<vmem>>) offsets(%arg9 : memref<128xi32, #tpu.memory_space<vmem>>) semaphore(%arg13 : memref<!tpu.dma_semaphore, #tpu.memory_space<semaphore_mem>>)
      %scan3A_387 = arith.constant 0 : i32
      scf.yield %scan3A_387 : i32
    }
    %scan3A_189 = arith.constant 39 : i32
    %dma_wait3A_190 = arith.constant 0 : i32
    %dma_wait3A_191 = arith.constant 0 : i32
    %dma_wait3A_192 = tpu.memref_slice %arg2[%dma_wait3A_190, %dma_wait3A_191] : memref<10240x128xf32, #tpu.memory_space<hbm>> -> memref<10240x128xf32, #tpu.memory_space<hbm>>
    tpu.wait_indirect_dma semaphore(%arg12 : memref<!tpu.dma_semaphore, #tpu.memory_space<semaphore_mem>>) src(%dma_wait3A_192 : memref<10240x128xf32, #tpu.memory_space<hbm>>) dst(%arg6 : memref<128x128xf32, #tpu.memory_space<vmem>>)
    %dma_start3A_193 = arith.constant 78 : i32
    %dma_start3A_194 = arith.constant 0 : i32
    %dma_start3A_195 = tpu.memref_slice %arg10[%dma_start3A_193, %dma_start3A_194] : memref<80x128xi32, #tpu.memory_space<vmem>> -> memref<1x128xi32, #tpu.memory_space<vmem>>
    %dma_start3A_196 = tpu.memref_squeeze %dma_start3A_195 : memref<1x128xi32, #tpu.memory_space<vmem>> -> memref<128xi32, #tpu.memory_space<vmem>>
    %dma_start3A_197 = arith.constant 0 : i32
    %dma_start3A_198 = arith.constant 0 : i32
    %dma_start3A_199 = tpu.memref_slice %arg11[%dma_start3A_197, %dma_start3A_198] : memref<10240x128xf32, #tpu.memory_space<vmem_shared>> -> memref<10240x128xf32, #tpu.memory_space<vmem_shared>>
    tpu.enqueue_indirect_dma source(%arg6 : memref<128x128xf32, #tpu.memory_space<vmem>>) target(%dma_start3A_199 : memref<10240x128xf32, #tpu.memory_space<vmem_shared>>) offsets(%dma_start3A_196 : memref<128xi32, #tpu.memory_space<vmem>>) semaphore(%arg16 : memref<!tpu.dma_semaphore, #tpu.memory_space<semaphore_mem>>) {add = true}
    %dma_wait3A_200 = arith.constant 0 : i32
    %dma_wait3A_201 = arith.constant 0 : i32
    %dma_wait3A_202 = tpu.memref_slice %arg2[%dma_wait3A_200, %dma_wait3A_201] : memref<10240x128xf32, #tpu.memory_space<hbm>> -> memref<10240x128xf32, #tpu.memory_space<hbm>>
    tpu.wait_indirect_dma semaphore(%arg13 : memref<!tpu.dma_semaphore, #tpu.memory_space<semaphore_mem>>) src(%dma_wait3A_202 : memref<10240x128xf32, #tpu.memory_space<hbm>>) dst(%arg7 : memref<128x128xf32, #tpu.memory_space<vmem>>)
    %dma_start3A_203 = arith.constant 79 : i32
    %dma_start3A_204 = arith.constant 0 : i32
    %dma_start3A_205 = tpu.memref_slice %arg10[%dma_start3A_203, %dma_start3A_204] : memref<80x128xi32, #tpu.memory_space<vmem>> -> memref<1x128xi32, #tpu.memory_space<vmem>>
    %dma_start3A_206 = tpu.memref_squeeze %dma_start3A_205 : memref<1x128xi32, #tpu.memory_space<vmem>> -> memref<128xi32, #tpu.memory_space<vmem>>
    %dma_start3A_207 = arith.constant 0 : i32
    %dma_start3A_208 = arith.constant 0 : i32
    %dma_start3A_209 = tpu.memref_slice %arg11[%dma_start3A_207, %dma_start3A_208] : memref<10240x128xf32, #tpu.memory_space<vmem_shared>> -> memref<10240x128xf32, #tpu.memory_space<vmem_shared>>
    tpu.enqueue_indirect_dma source(%arg7 : memref<128x128xf32, #tpu.memory_space<vmem>>) target(%dma_start3A_209 : memref<10240x128xf32, #tpu.memory_space<vmem_shared>>) offsets(%dma_start3A_206 : memref<128xi32, #tpu.memory_space<vmem>>) semaphore(%arg17 : memref<!tpu.dma_semaphore, #tpu.memory_space<semaphore_mem>>) {add = true}
    %dma_wait3A_210 = arith.constant 78 : i32
    %dma_wait3A_211 = arith.constant 0 : i32
    %dma_wait3A_212 = tpu.memref_slice %arg10[%dma_wait3A_210, %dma_wait3A_211] : memref<80x128xi32, #tpu.memory_space<vmem>> -> memref<1x128xi32, #tpu.memory_space<vmem>>
    %dma_wait3A_213 = tpu.memref_squeeze %dma_wait3A_212 : memref<1x128xi32, #tpu.memory_space<vmem>> -> memref<128xi32, #tpu.memory_space<vmem>>
    %dma_wait3A_214 = arith.constant 0 : i32
    %dma_wait3A_215 = arith.constant 0 : i32
    %dma_wait3A_216 = tpu.memref_slice %arg11[%dma_wait3A_214, %dma_wait3A_215] : memref<10240x128xf32, #tpu.memory_space<vmem_shared>> -> memref<10240x128xf32, #tpu.memory_space<vmem_shared>>
    tpu.wait_indirect_dma semaphore(%arg16 : memref<!tpu.dma_semaphore, #tpu.memory_space<semaphore_mem>>) src(%arg6 : memref<128x128xf32, #tpu.memory_space<vmem>>) dst(%dma_wait3A_216 : memref<10240x128xf32, #tpu.memory_space<vmem_shared>>)
    %dma_wait3A_217 = arith.constant 79 : i32
    %dma_wait3A_218 = arith.constant 0 : i32
    %dma_wait3A_219 = tpu.memref_slice %arg10[%dma_wait3A_217, %dma_wait3A_218] : memref<80x128xi32, #tpu.memory_space<vmem>> -> memref<1x128xi32, #tpu.memory_space<vmem>>
    %dma_wait3A_220 = tpu.memref_squeeze %dma_wait3A_219 : memref<1x128xi32, #tpu.memory_space<vmem>> -> memref<128xi32, #tpu.memory_space<vmem>>
    %dma_wait3A_221 = arith.constant 0 : i32
    %dma_wait3A_222 = arith.constant 0 : i32
    %dma_wait3A_223 = tpu.memref_slice %arg11[%dma_wait3A_221, %dma_wait3A_222] : memref<10240x128xf32, #tpu.memory_space<vmem_shared>> -> memref<10240x128xf32, #tpu.memory_space<vmem_shared>>
    tpu.wait_indirect_dma semaphore(%arg17 : memref<!tpu.dma_semaphore, #tpu.memory_space<semaphore_mem>>) src(%arg7 : memref<128x128xf32, #tpu.memory_space<vmem>>) dst(%dma_wait3A_223 : memref<10240x128xf32, #tpu.memory_space<vmem_shared>>)
    %barrier3A_224 = arith.constant 0 : index
    tpu.barrier barrier_id(%barrier3A_224)
    %mul3A_225 = arith.constant 640 : i32
    %mul3A_226 = arith.muli %arg1, %mul3A_225 : i32
    %add3A_227 = arith.constant 0 : i32
    %add3A_228 = arith.addi %mul3A_226, %add3A_227 : i32
    %dma_start3A_229 = arith.constant 0 : i32
    %dma_start3A_230 = tpu.memref_slice %arg5[%arg0, %add3A_228, %dma_start3A_229] : memref<2x10240x128xf32, #tpu.memory_space<hbm>> -> memref<1x128x128xf32, #tpu.memory_space<hbm>>
    %dma_start3A_231 = tpu.memref_squeeze %dma_start3A_230 : memref<1x128x128xf32, #tpu.memory_space<hbm>> -> memref<128x128xf32, #tpu.memory_space<hbm>>
    %dma_start3A_232 = arith.constant 0 : i32
    %dma_start3A_233 = tpu.memref_slice %arg11[%add3A_228, %dma_start3A_232] : memref<10240x128xf32, #tpu.memory_space<vmem_shared>> -> memref<128x128xf32, #tpu.memory_space<vmem_shared>>
    tpu.enqueue_dma source(%dma_start3A_233 : memref<128x128xf32, #tpu.memory_space<vmem_shared>>) target(%dma_start3A_231 : memref<128x128xf32, #tpu.memory_space<hbm>>) target_semaphore(%arg12 : memref<!tpu.dma_semaphore, #tpu.memory_space<semaphore_mem>>)
    %mul3A_234 = arith.constant 640 : i32
    %mul3A_235 = arith.muli %arg1, %mul3A_234 : i32
    %add3A_236 = arith.constant 128 : i32
    %add3A_237 = arith.addi %mul3A_235, %add3A_236 : i32
    %dma_start3A_238 = arith.constant 0 : i32
    %dma_start3A_239 = tpu.memref_slice %arg5[%arg0, %add3A_237, %dma_start3A_238] : memref<2x10240x128xf32, #tpu.memory_space<hbm>> -> memref<1x128x128xf32, #tpu.memory_space<hbm>>
    %dma_start3A_240 = tpu.memref_squeeze %dma_start3A_239 : memref<1x128x128xf32, #tpu.memory_space<hbm>> -> memref<128x128xf32, #tpu.memory_space<hbm>>
    %dma_start3A_241 = arith.constant 0 : i32
    %dma_start3A_242 = tpu.memref_slice %arg11[%add3A_237, %dma_start3A_241] : memref<10240x128xf32, #tpu.memory_space<vmem_shared>> -> memref<128x128xf32, #tpu.memory_space<vmem_shared>>
    tpu.enqueue_dma source(%dma_start3A_242 : memref<128x128xf32, #tpu.memory_space<vmem_shared>>) target(%dma_start3A_240 : memref<128x128xf32, #tpu.memory_space<hbm>>) target_semaphore(%arg12 : memref<!tpu.dma_semaphore, #tpu.memory_space<semaphore_mem>>)
    %mul3A_243 = arith.constant 640 : i32
    %mul3A_244 = arith.muli %arg1, %mul3A_243 : i32
    %add3A_245 = arith.constant 256 : i32
    %add3A_246 = arith.addi %mul3A_244, %add3A_245 : i32
    %dma_start3A_247 = arith.constant 0 : i32
    %dma_start3A_248 = tpu.memref_slice %arg5[%arg0, %add3A_246, %dma_start3A_247] : memref<2x10240x128xf32, #tpu.memory_space<hbm>> -> memref<1x128x128xf32, #tpu.memory_space<hbm>>
    %dma_start3A_249 = tpu.memref_squeeze %dma_start3A_248 : memref<1x128x128xf32, #tpu.memory_space<hbm>> -> memref<128x128xf32, #tpu.memory_space<hbm>>
    %dma_start3A_250 = arith.constant 0 : i32
    %dma_start3A_251 = tpu.memref_slice %arg11[%add3A_246, %dma_start3A_250] : memref<10240x128xf32, #tpu.memory_space<vmem_shared>> -> memref<128x128xf32, #tpu.memory_space<vmem_shared>>
    tpu.enqueue_dma source(%dma_start3A_251 : memref<128x128xf32, #tpu.memory_space<vmem_shared>>) target(%dma_start3A_249 : memref<128x128xf32, #tpu.memory_space<hbm>>) target_semaphore(%arg12 : memref<!tpu.dma_semaphore, #tpu.memory_space<semaphore_mem>>)
    %mul3A_252 = arith.constant 640 : i32
    %mul3A_253 = arith.muli %arg1, %mul3A_252 : i32
    %add3A_254 = arith.constant 384 : i32
    %add3A_255 = arith.addi %mul3A_253, %add3A_254 : i32
    %dma_start3A_256 = arith.constant 0 : i32
    %dma_start3A_257 = tpu.memref_slice %arg5[%arg0, %add3A_255, %dma_start3A_256] : memref<2x10240x128xf32, #tpu.memory_space<hbm>> -> memref<1x128x128xf32, #tpu.memory_space<hbm>>
    %dma_start3A_258 = tpu.memref_squeeze %dma_start3A_257 : memref<1x128x128xf32, #tpu.memory_space<hbm>> -> memref<128x128xf32, #tpu.memory_space<hbm>>
    %dma_start3A_259 = arith.constant 0 : i32
    %dma_start3A_260 = tpu.memref_slice %arg11[%add3A_255, %dma_start3A_259] : memref<10240x128xf32, #tpu.memory_space<vmem_shared>> -> memref<128x128xf32, #tpu.memory_space<vmem_shared>>
    tpu.enqueue_dma source(%dma_start3A_260 : memref<128x128xf32, #tpu.memory_space<vmem_shared>>) target(%dma_start3A_258 : memref<128x128xf32, #tpu.memory_space<hbm>>) target_semaphore(%arg12 : memref<!tpu.dma_semaphore, #tpu.memory_space<semaphore_mem>>)
    %mul3A_261 = arith.constant 640 : i32
    %mul3A_262 = arith.muli %arg1, %mul3A_261 : i32
    %add3A_263 = arith.constant 512 : i32
    %add3A_264 = arith.addi %mul3A_262, %add3A_263 : i32
    %dma_start3A_265 = arith.constant 0 : i32
    %dma_start3A_266 = tpu.memref_slice %arg5[%arg0, %add3A_264, %dma_start3A_265] : memref<2x10240x128xf32, #tpu.memory_space<hbm>> -> memref<1x128x128xf32, #tpu.memory_space<hbm>>
    %dma_start3A_267 = tpu.memref_squeeze %dma_start3A_266 : memref<1x128x128xf32, #tpu.memory_space<hbm>> -> memref<128x128xf32, #tpu.memory_space<hbm>>
    %dma_start3A_268 = arith.constant 0 : i32
    %dma_start3A_269 = tpu.memref_slice %arg11[%add3A_264, %dma_start3A_268] : memref<10240x128xf32, #tpu.memory_space<vmem_shared>> -> memref<128x128xf32, #tpu.memory_space<vmem_shared>>
    tpu.enqueue_dma source(%dma_start3A_269 : memref<128x128xf32, #tpu.memory_space<vmem_shared>>) target(%dma_start3A_267 : memref<128x128xf32, #tpu.memory_space<hbm>>) target_semaphore(%arg12 : memref<!tpu.dma_semaphore, #tpu.memory_space<semaphore_mem>>)
    %mul3A_270 = arith.constant 640 : i32
    %mul3A_271 = arith.muli %arg1, %mul3A_270 : i32
    %add3A_272 = arith.constant 0 : i32
    %add3A_273 = arith.addi %mul3A_271, %add3A_272 : i32
    %dma_wait3A_274 = arith.constant 0 : i32
    %dma_wait3A_275 = tpu.memref_slice %arg5[%arg0, %add3A_273, %dma_wait3A_274] : memref<2x10240x128xf32, #tpu.memory_space<hbm>> -> memref<1x128x128xf32, #tpu.memory_space<hbm>>
    %dma_wait3A_276 = tpu.memref_squeeze %dma_wait3A_275 : memref<1x128x128xf32, #tpu.memory_space<hbm>> -> memref<128x128xf32, #tpu.memory_space<hbm>>
    %dma_wait3A_277 = arith.constant 0 : i32
    %dma_wait3A_278 = tpu.memref_slice %arg11[%add3A_273, %dma_wait3A_277] : memref<10240x128xf32, #tpu.memory_space<vmem_shared>> -> memref<128x128xf32, #tpu.memory_space<vmem_shared>>
    tpu.wait_dma2 semaphore(%arg12 : memref<!tpu.dma_semaphore, #tpu.memory_space<semaphore_mem>>) src(%dma_wait3A_278 : memref<128x128xf32, #tpu.memory_space<vmem_shared>>) dst(%dma_wait3A_276 : memref<128x128xf32, #tpu.memory_space<hbm>>)
    %mul3A_279 = arith.constant 640 : i32
    %mul3A_280 = arith.muli %arg1, %mul3A_279 : i32
    %add3A_281 = arith.constant 128 : i32
    %add3A_282 = arith.addi %mul3A_280, %add3A_281 : i32
    %dma_wait3A_283 = arith.constant 0 : i32
    %dma_wait3A_284 = tpu.memref_slice %arg5[%arg0, %add3A_282, %dma_wait3A_283] : memref<2x10240x128xf32, #tpu.memory_space<hbm>> -> memref<1x128x128xf32, #tpu.memory_space<hbm>>
    %dma_wait3A_285 = tpu.memref_squeeze %dma_wait3A_284 : memref<1x128x128xf32, #tpu.memory_space<hbm>> -> memref<128x128xf32, #tpu.memory_space<hbm>>
    %dma_wait3A_286 = arith.constant 0 : i32
    %dma_wait3A_287 = tpu.memref_slice %arg11[%add3A_282, %dma_wait3A_286] : memref<10240x128xf32, #tpu.memory_space<vmem_shared>> -> memref<128x128xf32, #tpu.memory_space<vmem_shared>>
    tpu.wait_dma2 semaphore(%arg12 : memref<!tpu.dma_semaphore, #tpu.memory_space<semaphore_mem>>) src(%dma_wait3A_287 : memref<128x128xf32, #tpu.memory_space<vmem_shared>>) dst(%dma_wait3A_285 : memref<128x128xf32, #tpu.memory_space<hbm>>)
    %mul3A_288 = arith.constant 640 : i32
    %mul3A_289 = arith.muli %arg1, %mul3A_288 : i32
    %add3A_290 = arith.constant 256 : i32
    %add3A_291 = arith.addi %mul3A_289, %add3A_290 : i32
    %dma_wait3A_292 = arith.constant 0 : i32
    %dma_wait3A_293 = tpu.memref_slice %arg5[%arg0, %add3A_291, %dma_wait3A_292] : memref<2x10240x128xf32, #tpu.memory_space<hbm>> -> memref<1x128x128xf32, #tpu.memory_space<hbm>>
    %dma_wait3A_294 = tpu.memref_squeeze %dma_wait3A_293 : memref<1x128x128xf32, #tpu.memory_space<hbm>> -> memref<128x128xf32, #tpu.memory_space<hbm>>
    %dma_wait3A_295 = arith.constant 0 : i32
    %dma_wait3A_296 = tpu.memref_slice %arg11[%add3A_291, %dma_wait3A_295] : memref<10240x128xf32, #tpu.memory_space<vmem_shared>> -> memref<128x128xf32, #tpu.memory_space<vmem_shared>>
    tpu.wait_dma2 semaphore(%arg12 : memref<!tpu.dma_semaphore, #tpu.memory_space<semaphore_mem>>) src(%dma_wait3A_296 : memref<128x128xf32, #tpu.memory_space<vmem_shared>>) dst(%dma_wait3A_294 : memref<128x128xf32, #tpu.memory_space<hbm>>)
    %mul3A_297 = arith.constant 640 : i32
    %mul3A_298 = arith.muli %arg1, %mul3A_297 : i32
    %add3A_299 = arith.constant 384 : i32
    %add3A_300 = arith.addi %mul3A_298, %add3A_299 : i32
    %dma_wait3A_301 = arith.constant 0 : i32
    %dma_wait3A_302 = tpu.memref_slice %arg5[%arg0, %add3A_300, %dma_wait3A_301] : memref<2x10240x128xf32, #tpu.memory_space<hbm>> -> memref<1x128x128xf32, #tpu.memory_space<hbm>>
    %dma_wait3A_303 = tpu.memref_squeeze %dma_wait3A_302 : memref<1x128x128xf32, #tpu.memory_space<hbm>> -> memref<128x128xf32, #tpu.memory_space<hbm>>
    %dma_wait3A_304 = arith.constant 0 : i32
    %dma_wait3A_305 = tpu.memref_slice %arg11[%add3A_300, %dma_wait3A_304] : memref<10240x128xf32, #tpu.memory_space<vmem_shared>> -> memref<128x128xf32, #tpu.memory_space<vmem_shared>>
    tpu.wait_dma2 semaphore(%arg12 : memref<!tpu.dma_semaphore, #tpu.memory_space<semaphore_mem>>) src(%dma_wait3A_305 : memref<128x128xf32, #tpu.memory_space<vmem_shared>>) dst(%dma_wait3A_303 : memref<128x128xf32, #tpu.memory_space<hbm>>)
    %mul3A_306 = arith.constant 640 : i32
    %mul3A_307 = arith.muli %arg1, %mul3A_306 : i32
    %add3A_308 = arith.constant 512 : i32
    %add3A_309 = arith.addi %mul3A_307, %add3A_308 : i32
    %dma_wait3A_310 = arith.constant 0 : i32
    %dma_wait3A_311 = tpu.memref_slice %arg5[%arg0, %add3A_309, %dma_wait3A_310] : memref<2x10240x128xf32, #tpu.memory_space<hbm>> -> memref<1x128x128xf32, #tpu.memory_space<hbm>>
    %dma_wait3A_312 = tpu.memref_squeeze %dma_wait3A_311 : memref<1x128x128xf32, #tpu.memory_space<hbm>> -> memref<128x128xf32, #tpu.memory_space<hbm>>
    %dma_wait3A_313 = arith.constant 0 : i32
    %dma_wait3A_314 = tpu.memref_slice %arg11[%add3A_309, %dma_wait3A_313] : memref<10240x128xf32, #tpu.memory_space<vmem_shared>> -> memref<128x128xf32, #tpu.memory_space<vmem_shared>>
    tpu.wait_dma2 semaphore(%arg12 : memref<!tpu.dma_semaphore, #tpu.memory_space<semaphore_mem>>) src(%dma_wait3A_314 : memref<128x128xf32, #tpu.memory_space<vmem_shared>>) dst(%dma_wait3A_312 : memref<128x128xf32, #tpu.memory_space<hbm>>)
    return
  }
}

#map = affine_map<(d0, d1) -> (0, 0)>
#map1 = affine_map<(d0, d1) -> (0)>
#map2 = affine_map<(d0, d1) -> (0, 0, 0)>
module attributes {stable_mosaic.version = 14 : i64} {
  func.func @sage_sc_agg_cnt(%arg0: i32, %arg1: i32, %arg2: memref<10240x128xf32, #tpu.memory_space<hbm>>, %arg3: memref<327680xi32, #tpu.memory_space<hbm>>, %arg4: memref<327680xi32, #tpu.memory_space<hbm>>, %arg5: memref<2x10240x128xf32, #tpu.memory_space<hbm>>, %arg6: memref<2x10240xf32, #tpu.memory_space<hbm>>, %arg7: memref<128x128xf32, #tpu.memory_space<vmem>>, %arg8: memref<128x128xf32, #tpu.memory_space<vmem>>, %arg9: memref<128xi32, #tpu.memory_space<vmem>>, %arg10: memref<128xi32, #tpu.memory_space<vmem>>, %arg11: memref<80x128xi32, #tpu.memory_space<vmem>>, %arg12: memref<128xf32, #tpu.memory_space<vmem>>, %arg13: memref<640xf32, #tpu.memory_space<vmem>>, %arg14: memref<10240x128xf32, #tpu.memory_space<vmem_shared>>, %arg15: memref<10240xf32, #tpu.memory_space<vmem_shared>>, %arg16: memref<!tpu.dma_semaphore, #tpu.memory_space<semaphore_mem>>, %arg17: memref<!tpu.dma_semaphore, #tpu.memory_space<semaphore_mem>>, %arg18: memref<!tpu.dma_semaphore, #tpu.memory_space<semaphore_mem>>, %arg19: memref<!tpu.dma_semaphore, #tpu.memory_space<semaphore_mem>>, %arg20: memref<!tpu.dma_semaphore, #tpu.memory_space<semaphore_mem>>, %arg21: memref<!tpu.dma_semaphore, #tpu.memory_space<semaphore_mem>>) attributes {dimension_semantics = [#tpu.dimension_semantics<core_parallel>, #tpu.dimension_semantics<subcore_parallel>], iteration_bounds = array<i64: 2, 16>, scalar_prefetch = 0 : i64, scratch_operands = 15 : i64, tpu.core_type = #tpu.core_type<sc_vector_subcore>, window_params = [{transform_indices = #map}, {transform_indices = #map1}, {transform_indices = #map1}, {transform_indices = #map2}, {transform_indices = #map}]} {
    %mul3A = arith.constant 2 : i32
    %mul3A_0 = arith.muli %arg1, %mul3A : i32
    %add3A = arith.addi %mul3A_0, %arg0 : i32
    %mul3A_1 = arith.constant 10240 : i32
    %mul3A_2 = arith.muli %add3A, %mul3A_1 : i32
    %scan3A = arith.constant 0 : i32
    %scan3A_3 = arith.constant 0 : i32
    %scan3A_4 = arith.constant 1024 : i32
    %scan3A_5 = arith.addi %scan3A_3, %scan3A_4 : i32
    %scan3A_6 = arith.constant 1 : i32
    %scan3A_7 = scf.for %scan3A_369 = %scan3A_3 to %scan3A_5 step %scan3A_6 iter_args(%scan3A_370 = %scan3A) -> (i32)  : i32 {
      %jit3A = arith.constant 8 : i32
      %div3A = arith.divsi %scan3A_369, %jit3A : i32
      %sign3A = arith.constant 0 : i32
      %sign3A_371 = arith.cmpi sgt, %scan3A_369, %sign3A : i32
      %sign3A_372 = arith.extui %sign3A_371 : i1 to i32
      %sign3A_373 = arith.constant 0 : i32
      %sign3A_374 = arith.cmpi slt, %scan3A_369, %sign3A_373 : i32
      %sign3A_375 = arith.extui %sign3A_374 : i1 to i32
      %sign3A_376 = arith.subi %sign3A_372, %sign3A_375 : i32
      %sign3A_377 = arith.constant 0 : i32
      %sign3A_378 = arith.cmpi sgt, %jit3A, %sign3A_377 : i32
      %sign3A_379 = arith.extui %sign3A_378 : i1 to i32
      %sign3A_380 = arith.constant 0 : i32
      %sign3A_381 = arith.cmpi slt, %jit3A, %sign3A_380 : i32
      %sign3A_382 = arith.extui %sign3A_381 : i1 to i32
      %sign3A_383 = arith.subi %sign3A_379, %sign3A_382 : i32
      %ne3A = arith.cmpi ne, %sign3A_376, %sign3A_383 : i32
      %rem3A = arith.remsi %scan3A_369, %jit3A : i32
      %ne3A_384 = arith.constant 0 : i32
      %ne3A_385 = arith.cmpi ne, %rem3A, %ne3A_384 : i32
      %and3A = arith.andi %ne3A, %ne3A_385 : i1
      %sub3A = arith.constant 1 : i32
      %sub3A_386 = arith.subi %div3A, %sub3A : i32
      %select_n3A = arith.select %and3A, %sub3A_386, %div3A : i32
      %jit3A_387 = arith.constant 8 : i32
      %eq3A = arith.constant 0 : i32
      %eq3A_388 = arith.cmpi eq, %jit3A_387, %eq3A : i32
      %jit3A_389 = arith.constant 1 : i32
      %select_n3A_390 = arith.select %eq3A_388, %jit3A_389, %jit3A_387 : i32
      %rem3A_391 = arith.remsi %scan3A_369, %select_n3A_390 : i32
      %ne3A_392 = arith.constant 0 : i32
      %ne3A_393 = arith.cmpi ne, %rem3A_391, %ne3A_392 : i32
      %lt3A = arith.constant 0 : i32
      %lt3A_394 = arith.cmpi slt, %rem3A_391, %lt3A : i32
      %lt3A_395 = arith.constant 0 : i32
      %lt3A_396 = arith.cmpi slt, %select_n3A_390, %lt3A_395 : i32
      %ne3A_397 = arith.xori %lt3A_394, %lt3A_396 : i1
      %and3A_398 = arith.andi %ne3A_397, %ne3A_393 : i1
      %add3A_399 = arith.addi %rem3A_391, %select_n3A_390 : i32
      %select_n3A_400 = arith.select %and3A_398, %add3A_399, %rem3A_391 : i32
      %broadcast_in_dim3A = arith.constant 0.000000e+00 : f32
      %broadcast_in_dim3A_401 = vector.broadcast %broadcast_in_dim3A : f32 to vector<16xf32>
      %mul3A_402 = arith.constant 16 : i32
      %mul3A_403 = arith.muli %select_n3A_400, %mul3A_402 : i32
      %swap3A = arith.index_cast %select_n3A : i32 to index
      %swap3A_404 = arith.index_cast %mul3A_403 : i32 to index
      %swap3A_405 = tpu.vector_load %arg7[%swap3A, %swap3A_404] {strides = array<i32>} : memref<128x128xf32, #tpu.memory_space<vmem>>, vector<1x16xf32>,
      %swap3A_406 = vector.shape_cast %swap3A_405 : vector<1x16xf32> to vector<16xf32>
      %swap3A_407 = vector.shape_cast %broadcast_in_dim3A_401 : vector<16xf32> to vector<1x16xf32>
      tpu.vector_store %arg7[%swap3A, %swap3A_404], %swap3A_407 {strides = array<i32>} : memref<128x128xf32, #tpu.memory_space<vmem>>, vector<1x16xf32>,
      %scan3A_408 = arith.constant 0 : i32
      scf.yield %scan3A_408 : i32
    }
    %scan3A_8 = arith.constant 1024 : i32
    %mul3A_9 = arith.constant 640 : i32
    %mul3A_10 = arith.muli %arg1, %mul3A_9 : i32
    %add3A_11 = arith.constant 0 : i32
    %add3A_12 = arith.addi %mul3A_10, %add3A_11 : i32
    %dma_start3A = arith.constant 0 : i32
    %dma_start3A_13 = arith.constant 0 : i32
    %dma_start3A_14 = tpu.memref_slice %arg7[%dma_start3A, %dma_start3A_13] : memref<128x128xf32, #tpu.memory_space<vmem>> -> memref<128x128xf32, #tpu.memory_space<vmem>>
    %dma_start3A_15 = arith.constant 0 : i32
    %dma_start3A_16 = tpu.memref_slice %arg14[%add3A_12, %dma_start3A_15] : memref<10240x128xf32, #tpu.memory_space<vmem_shared>> -> memref<128x128xf32, #tpu.memory_space<vmem_shared>>
    %dma_start3A_17 = arith.constant 0 : i32
    %dma_start3A_18 = tpu.memref_slice %arg14[%add3A_12, %dma_start3A_17] : memref<10240x128xf32, #tpu.memory_space<vmem_shared>> -> memref<128x128xf32, #tpu.memory_space<vmem_shared>>
    %dma_start3A_19 = arith.constant 0 : i32
    %dma_start3A_20 = arith.constant 0 : i32
    %dma_start3A_21 = tpu.memref_slice %arg7[%dma_start3A_19, %dma_start3A_20] : memref<128x128xf32, #tpu.memory_space<vmem>> -> memref<128x128xf32, #tpu.memory_space<vmem>>
    tpu.enqueue_dma source(%dma_start3A_21 : memref<128x128xf32, #tpu.memory_space<vmem>>) target(%dma_start3A_18 : memref<128x128xf32, #tpu.memory_space<vmem_shared>>) target_semaphore(%arg16 : memref<!tpu.dma_semaphore, #tpu.memory_space<semaphore_mem>>)
    %mul3A_22 = arith.constant 640 : i32
    %mul3A_23 = arith.muli %arg1, %mul3A_22 : i32
    %add3A_24 = arith.constant 128 : i32
    %add3A_25 = arith.addi %mul3A_23, %add3A_24 : i32
    %dma_start3A_26 = arith.constant 0 : i32
    %dma_start3A_27 = arith.constant 0 : i32
    %dma_start3A_28 = tpu.memref_slice %arg7[%dma_start3A_26, %dma_start3A_27] : memref<128x128xf32, #tpu.memory_space<vmem>> -> memref<128x128xf32, #tpu.memory_space<vmem>>
    %dma_start3A_29 = arith.constant 0 : i32
    %dma_start3A_30 = tpu.memref_slice %arg14[%add3A_25, %dma_start3A_29] : memref<10240x128xf32, #tpu.memory_space<vmem_shared>> -> memref<128x128xf32, #tpu.memory_space<vmem_shared>>
    %dma_start3A_31 = arith.constant 0 : i32
    %dma_start3A_32 = tpu.memref_slice %arg14[%add3A_25, %dma_start3A_31] : memref<10240x128xf32, #tpu.memory_space<vmem_shared>> -> memref<128x128xf32, #tpu.memory_space<vmem_shared>>
    %dma_start3A_33 = arith.constant 0 : i32
    %dma_start3A_34 = arith.constant 0 : i32
    %dma_start3A_35 = tpu.memref_slice %arg7[%dma_start3A_33, %dma_start3A_34] : memref<128x128xf32, #tpu.memory_space<vmem>> -> memref<128x128xf32, #tpu.memory_space<vmem>>
    tpu.enqueue_dma source(%dma_start3A_35 : memref<128x128xf32, #tpu.memory_space<vmem>>) target(%dma_start3A_32 : memref<128x128xf32, #tpu.memory_space<vmem_shared>>) target_semaphore(%arg16 : memref<!tpu.dma_semaphore, #tpu.memory_space<semaphore_mem>>)
    %mul3A_36 = arith.constant 640 : i32
    %mul3A_37 = arith.muli %arg1, %mul3A_36 : i32
    %add3A_38 = arith.constant 256 : i32
    %add3A_39 = arith.addi %mul3A_37, %add3A_38 : i32
    %dma_start3A_40 = arith.constant 0 : i32
    %dma_start3A_41 = arith.constant 0 : i32
    %dma_start3A_42 = tpu.memref_slice %arg7[%dma_start3A_40, %dma_start3A_41] : memref<128x128xf32, #tpu.memory_space<vmem>> -> memref<128x128xf32, #tpu.memory_space<vmem>>
    %dma_start3A_43 = arith.constant 0 : i32
    %dma_start3A_44 = tpu.memref_slice %arg14[%add3A_39, %dma_start3A_43] : memref<10240x128xf32, #tpu.memory_space<vmem_shared>> -> memref<128x128xf32, #tpu.memory_space<vmem_shared>>
    %dma_start3A_45 = arith.constant 0 : i32
    %dma_start3A_46 = tpu.memref_slice %arg14[%add3A_39, %dma_start3A_45] : memref<10240x128xf32, #tpu.memory_space<vmem_shared>> -> memref<128x128xf32, #tpu.memory_space<vmem_shared>>
    %dma_start3A_47 = arith.constant 0 : i32
    %dma_start3A_48 = arith.constant 0 : i32
    %dma_start3A_49 = tpu.memref_slice %arg7[%dma_start3A_47, %dma_start3A_48] : memref<128x128xf32, #tpu.memory_space<vmem>> -> memref<128x128xf32, #tpu.memory_space<vmem>>
    tpu.enqueue_dma source(%dma_start3A_49 : memref<128x128xf32, #tpu.memory_space<vmem>>) target(%dma_start3A_46 : memref<128x128xf32, #tpu.memory_space<vmem_shared>>) target_semaphore(%arg16 : memref<!tpu.dma_semaphore, #tpu.memory_space<semaphore_mem>>)
    %mul3A_50 = arith.constant 640 : i32
    %mul3A_51 = arith.muli %arg1, %mul3A_50 : i32
    %add3A_52 = arith.constant 384 : i32
    %add3A_53 = arith.addi %mul3A_51, %add3A_52 : i32
    %dma_start3A_54 = arith.constant 0 : i32
    %dma_start3A_55 = arith.constant 0 : i32
    %dma_start3A_56 = tpu.memref_slice %arg7[%dma_start3A_54, %dma_start3A_55] : memref<128x128xf32, #tpu.memory_space<vmem>> -> memref<128x128xf32, #tpu.memory_space<vmem>>
    %dma_start3A_57 = arith.constant 0 : i32
    %dma_start3A_58 = tpu.memref_slice %arg14[%add3A_53, %dma_start3A_57] : memref<10240x128xf32, #tpu.memory_space<vmem_shared>> -> memref<128x128xf32, #tpu.memory_space<vmem_shared>>
    %dma_start3A_59 = arith.constant 0 : i32
    %dma_start3A_60 = tpu.memref_slice %arg14[%add3A_53, %dma_start3A_59] : memref<10240x128xf32, #tpu.memory_space<vmem_shared>> -> memref<128x128xf32, #tpu.memory_space<vmem_shared>>
    %dma_start3A_61 = arith.constant 0 : i32
    %dma_start3A_62 = arith.constant 0 : i32
    %dma_start3A_63 = tpu.memref_slice %arg7[%dma_start3A_61, %dma_start3A_62] : memref<128x128xf32, #tpu.memory_space<vmem>> -> memref<128x128xf32, #tpu.memory_space<vmem>>
    tpu.enqueue_dma source(%dma_start3A_63 : memref<128x128xf32, #tpu.memory_space<vmem>>) target(%dma_start3A_60 : memref<128x128xf32, #tpu.memory_space<vmem_shared>>) target_semaphore(%arg16 : memref<!tpu.dma_semaphore, #tpu.memory_space<semaphore_mem>>)
    %mul3A_64 = arith.constant 640 : i32
    %mul3A_65 = arith.muli %arg1, %mul3A_64 : i32
    %add3A_66 = arith.constant 512 : i32
    %add3A_67 = arith.addi %mul3A_65, %add3A_66 : i32
    %dma_start3A_68 = arith.constant 0 : i32
    %dma_start3A_69 = arith.constant 0 : i32
    %dma_start3A_70 = tpu.memref_slice %arg7[%dma_start3A_68, %dma_start3A_69] : memref<128x128xf32, #tpu.memory_space<vmem>> -> memref<128x128xf32, #tpu.memory_space<vmem>>
    %dma_start3A_71 = arith.constant 0 : i32
    %dma_start3A_72 = tpu.memref_slice %arg14[%add3A_67, %dma_start3A_71] : memref<10240x128xf32, #tpu.memory_space<vmem_shared>> -> memref<128x128xf32, #tpu.memory_space<vmem_shared>>
    %dma_start3A_73 = arith.constant 0 : i32
    %dma_start3A_74 = tpu.memref_slice %arg14[%add3A_67, %dma_start3A_73] : memref<10240x128xf32, #tpu.memory_space<vmem_shared>> -> memref<128x128xf32, #tpu.memory_space<vmem_shared>>
    %dma_start3A_75 = arith.constant 0 : i32
    %dma_start3A_76 = arith.constant 0 : i32
    %dma_start3A_77 = tpu.memref_slice %arg7[%dma_start3A_75, %dma_start3A_76] : memref<128x128xf32, #tpu.memory_space<vmem>> -> memref<128x128xf32, #tpu.memory_space<vmem>>
    tpu.enqueue_dma source(%dma_start3A_77 : memref<128x128xf32, #tpu.memory_space<vmem>>) target(%dma_start3A_74 : memref<128x128xf32, #tpu.memory_space<vmem_shared>>) target_semaphore(%arg16 : memref<!tpu.dma_semaphore, #tpu.memory_space<semaphore_mem>>)
    %mul3A_78 = arith.constant 640 : i32
    %mul3A_79 = arith.muli %arg1, %mul3A_78 : i32
    %add3A_80 = arith.constant 0 : i32
    %add3A_81 = arith.addi %mul3A_79, %add3A_80 : i32
    %dma_wait3A = arith.constant 0 : i32
    %dma_wait3A_82 = arith.constant 0 : i32
    %dma_wait3A_83 = tpu.memref_slice %arg7[%dma_wait3A, %dma_wait3A_82] : memref<128x128xf32, #tpu.memory_space<vmem>> -> memref<128x128xf32, #tpu.memory_space<vmem>>
    %dma_wait3A_84 = arith.constant 0 : i32
    %dma_wait3A_85 = tpu.memref_slice %arg14[%add3A_81, %dma_wait3A_84] : memref<10240x128xf32, #tpu.memory_space<vmem_shared>> -> memref<128x128xf32, #tpu.memory_space<vmem_shared>>
    %dma_wait3A_86 = arith.constant 0 : i32
    %dma_wait3A_87 = tpu.memref_slice %arg14[%add3A_81, %dma_wait3A_86] : memref<10240x128xf32, #tpu.memory_space<vmem_shared>> -> memref<128x128xf32, #tpu.memory_space<vmem_shared>>
    %dma_wait3A_88 = arith.constant 0 : i32
    %dma_wait3A_89 = arith.constant 0 : i32
    %dma_wait3A_90 = tpu.memref_slice %arg7[%dma_wait3A_88, %dma_wait3A_89] : memref<128x128xf32, #tpu.memory_space<vmem>> -> memref<128x128xf32, #tpu.memory_space<vmem>>
    tpu.wait_dma2 semaphore(%arg16 : memref<!tpu.dma_semaphore, #tpu.memory_space<semaphore_mem>>) src(%dma_wait3A_90 : memref<128x128xf32, #tpu.memory_space<vmem>>) dst(%dma_wait3A_87 : memref<128x128xf32, #tpu.memory_space<vmem_shared>>)
    %mul3A_91 = arith.constant 640 : i32
    %mul3A_92 = arith.muli %arg1, %mul3A_91 : i32
    %add3A_93 = arith.constant 128 : i32
    %add3A_94 = arith.addi %mul3A_92, %add3A_93 : i32
    %dma_wait3A_95 = arith.constant 0 : i32
    %dma_wait3A_96 = arith.constant 0 : i32
    %dma_wait3A_97 = tpu.memref_slice %arg7[%dma_wait3A_95, %dma_wait3A_96] : memref<128x128xf32, #tpu.memory_space<vmem>> -> memref<128x128xf32, #tpu.memory_space<vmem>>
    %dma_wait3A_98 = arith.constant 0 : i32
    %dma_wait3A_99 = tpu.memref_slice %arg14[%add3A_94, %dma_wait3A_98] : memref<10240x128xf32, #tpu.memory_space<vmem_shared>> -> memref<128x128xf32, #tpu.memory_space<vmem_shared>>
    %dma_wait3A_100 = arith.constant 0 : i32
    %dma_wait3A_101 = tpu.memref_slice %arg14[%add3A_94, %dma_wait3A_100] : memref<10240x128xf32, #tpu.memory_space<vmem_shared>> -> memref<128x128xf32, #tpu.memory_space<vmem_shared>>
    %dma_wait3A_102 = arith.constant 0 : i32
    %dma_wait3A_103 = arith.constant 0 : i32
    %dma_wait3A_104 = tpu.memref_slice %arg7[%dma_wait3A_102, %dma_wait3A_103] : memref<128x128xf32, #tpu.memory_space<vmem>> -> memref<128x128xf32, #tpu.memory_space<vmem>>
    tpu.wait_dma2 semaphore(%arg16 : memref<!tpu.dma_semaphore, #tpu.memory_space<semaphore_mem>>) src(%dma_wait3A_104 : memref<128x128xf32, #tpu.memory_space<vmem>>) dst(%dma_wait3A_101 : memref<128x128xf32, #tpu.memory_space<vmem_shared>>)
    %mul3A_105 = arith.constant 640 : i32
    %mul3A_106 = arith.muli %arg1, %mul3A_105 : i32
    %add3A_107 = arith.constant 256 : i32
    %add3A_108 = arith.addi %mul3A_106, %add3A_107 : i32
    %dma_wait3A_109 = arith.constant 0 : i32
    %dma_wait3A_110 = arith.constant 0 : i32
    %dma_wait3A_111 = tpu.memref_slice %arg7[%dma_wait3A_109, %dma_wait3A_110] : memref<128x128xf32, #tpu.memory_space<vmem>> -> memref<128x128xf32, #tpu.memory_space<vmem>>
    %dma_wait3A_112 = arith.constant 0 : i32
    %dma_wait3A_113 = tpu.memref_slice %arg14[%add3A_108, %dma_wait3A_112] : memref<10240x128xf32, #tpu.memory_space<vmem_shared>> -> memref<128x128xf32, #tpu.memory_space<vmem_shared>>
    %dma_wait3A_114 = arith.constant 0 : i32
    %dma_wait3A_115 = tpu.memref_slice %arg14[%add3A_108, %dma_wait3A_114] : memref<10240x128xf32, #tpu.memory_space<vmem_shared>> -> memref<128x128xf32, #tpu.memory_space<vmem_shared>>
    %dma_wait3A_116 = arith.constant 0 : i32
    %dma_wait3A_117 = arith.constant 0 : i32
    %dma_wait3A_118 = tpu.memref_slice %arg7[%dma_wait3A_116, %dma_wait3A_117] : memref<128x128xf32, #tpu.memory_space<vmem>> -> memref<128x128xf32, #tpu.memory_space<vmem>>
    tpu.wait_dma2 semaphore(%arg16 : memref<!tpu.dma_semaphore, #tpu.memory_space<semaphore_mem>>) src(%dma_wait3A_118 : memref<128x128xf32, #tpu.memory_space<vmem>>) dst(%dma_wait3A_115 : memref<128x128xf32, #tpu.memory_space<vmem_shared>>)
    %mul3A_119 = arith.constant 640 : i32
    %mul3A_120 = arith.muli %arg1, %mul3A_119 : i32
    %add3A_121 = arith.constant 384 : i32
    %add3A_122 = arith.addi %mul3A_120, %add3A_121 : i32
    %dma_wait3A_123 = arith.constant 0 : i32
    %dma_wait3A_124 = arith.constant 0 : i32
    %dma_wait3A_125 = tpu.memref_slice %arg7[%dma_wait3A_123, %dma_wait3A_124] : memref<128x128xf32, #tpu.memory_space<vmem>> -> memref<128x128xf32, #tpu.memory_space<vmem>>
    %dma_wait3A_126 = arith.constant 0 : i32
    %dma_wait3A_127 = tpu.memref_slice %arg14[%add3A_122, %dma_wait3A_126] : memref<10240x128xf32, #tpu.memory_space<vmem_shared>> -> memref<128x128xf32, #tpu.memory_space<vmem_shared>>
    %dma_wait3A_128 = arith.constant 0 : i32
    %dma_wait3A_129 = tpu.memref_slice %arg14[%add3A_122, %dma_wait3A_128] : memref<10240x128xf32, #tpu.memory_space<vmem_shared>> -> memref<128x128xf32, #tpu.memory_space<vmem_shared>>
    %dma_wait3A_130 = arith.constant 0 : i32
    %dma_wait3A_131 = arith.constant 0 : i32
    %dma_wait3A_132 = tpu.memref_slice %arg7[%dma_wait3A_130, %dma_wait3A_131] : memref<128x128xf32, #tpu.memory_space<vmem>> -> memref<128x128xf32, #tpu.memory_space<vmem>>
    tpu.wait_dma2 semaphore(%arg16 : memref<!tpu.dma_semaphore, #tpu.memory_space<semaphore_mem>>) src(%dma_wait3A_132 : memref<128x128xf32, #tpu.memory_space<vmem>>) dst(%dma_wait3A_129 : memref<128x128xf32, #tpu.memory_space<vmem_shared>>)
    %mul3A_133 = arith.constant 640 : i32
    %mul3A_134 = arith.muli %arg1, %mul3A_133 : i32
    %add3A_135 = arith.constant 512 : i32
    %add3A_136 = arith.addi %mul3A_134, %add3A_135 : i32
    %dma_wait3A_137 = arith.constant 0 : i32
    %dma_wait3A_138 = arith.constant 0 : i32
    %dma_wait3A_139 = tpu.memref_slice %arg7[%dma_wait3A_137, %dma_wait3A_138] : memref<128x128xf32, #tpu.memory_space<vmem>> -> memref<128x128xf32, #tpu.memory_space<vmem>>
    %dma_wait3A_140 = arith.constant 0 : i32
    %dma_wait3A_141 = tpu.memref_slice %arg14[%add3A_136, %dma_wait3A_140] : memref<10240x128xf32, #tpu.memory_space<vmem_shared>> -> memref<128x128xf32, #tpu.memory_space<vmem_shared>>
    %dma_wait3A_142 = arith.constant 0 : i32
    %dma_wait3A_143 = tpu.memref_slice %arg14[%add3A_136, %dma_wait3A_142] : memref<10240x128xf32, #tpu.memory_space<vmem_shared>> -> memref<128x128xf32, #tpu.memory_space<vmem_shared>>
    %dma_wait3A_144 = arith.constant 0 : i32
    %dma_wait3A_145 = arith.constant 0 : i32
    %dma_wait3A_146 = tpu.memref_slice %arg7[%dma_wait3A_144, %dma_wait3A_145] : memref<128x128xf32, #tpu.memory_space<vmem>> -> memref<128x128xf32, #tpu.memory_space<vmem>>
    tpu.wait_dma2 semaphore(%arg16 : memref<!tpu.dma_semaphore, #tpu.memory_space<semaphore_mem>>) src(%dma_wait3A_146 : memref<128x128xf32, #tpu.memory_space<vmem>>) dst(%dma_wait3A_143 : memref<128x128xf32, #tpu.memory_space<vmem_shared>>)
    %scan3A_147 = arith.constant 0 : i32
    %scan3A_148 = arith.constant 0 : i32
    %scan3A_149 = arith.constant 80 : i32
    %scan3A_150 = arith.addi %scan3A_148, %scan3A_149 : i32
    %scan3A_151 = arith.constant 1 : i32
    %scan3A_152 = scf.for %scan3A_369 = %scan3A_148 to %scan3A_150 step %scan3A_151 iter_args(%scan3A_370 = %scan3A_147) -> (i32)  : i32 {
      %mul3A_371 = arith.constant 128 : i32
      %mul3A_372 = arith.muli %scan3A_369, %mul3A_371 : i32
      %add3A_373 = arith.addi %mul3A_2, %mul3A_372 : i32
      %dma_start3A_374 = arith.constant 0 : i32
      %dma_start3A_375 = tpu.memref_slice %arg11[%scan3A_369, %dma_start3A_374] : memref<80x128xi32, #tpu.memory_space<vmem>> -> memref<1x128xi32, #tpu.memory_space<vmem>>
      %dma_start3A_376 = tpu.memref_squeeze %dma_start3A_375 : memref<1x128xi32, #tpu.memory_space<vmem>> -> memref<128xi32, #tpu.memory_space<vmem>>
      %dma_start3A_377 = tpu.memref_slice %arg4[%add3A_373] : memref<327680xi32, #tpu.memory_space<hbm>> -> memref<128xi32, #tpu.memory_space<hbm>>
      %dma_start3A_378 = arith.constant 0 : i32
      %dma_start3A_379 = tpu.memref_slice %arg11[%scan3A_369, %dma_start3A_378] : memref<80x128xi32, #tpu.memory_space<vmem>> -> memref<1x128xi32, #tpu.memory_space<vmem>>
      %dma_start3A_380 = tpu.memref_squeeze %dma_start3A_379 : memref<1x128xi32, #tpu.memory_space<vmem>> -> memref<128xi32, #tpu.memory_space<vmem>>
      %dma_start3A_381 = tpu.memref_slice %arg4[%add3A_373] : memref<327680xi32, #tpu.memory_space<hbm>> -> memref<128xi32, #tpu.memory_space<hbm>>
      tpu.enqueue_dma source(%dma_start3A_381 : memref<128xi32, #tpu.memory_space<hbm>>) target(%dma_start3A_380 : memref<128xi32, #tpu.memory_space<vmem>>) target_semaphore(%arg18 : memref<!tpu.dma_semaphore, #tpu.memory_space<semaphore_mem>>)
      %scan3A_382 = arith.constant 0 : i32
      scf.yield %scan3A_382 : i32
    }
    %scan3A_153 = arith.constant 80 : i32
    %scan3A_154 = arith.constant 0 : i32
    %scan3A_155 = arith.constant 0 : i32
    %scan3A_156 = arith.constant 80 : i32
    %scan3A_157 = arith.addi %scan3A_155, %scan3A_156 : i32
    %scan3A_158 = arith.constant 1 : i32
    %scan3A_159 = scf.for %scan3A_369 = %scan3A_155 to %scan3A_157 step %scan3A_158 iter_args(%scan3A_370 = %scan3A_154) -> (i32)  : i32 {
      %mul3A_371 = arith.constant 128 : i32
      %mul3A_372 = arith.muli %scan3A_369, %mul3A_371 : i32
      %add3A_373 = arith.addi %mul3A_2, %mul3A_372 : i32
      %dma_wait3A_374 = arith.constant 0 : i32
      %dma_wait3A_375 = tpu.memref_slice %arg11[%scan3A_369, %dma_wait3A_374] : memref<80x128xi32, #tpu.memory_space<vmem>> -> memref<1x128xi32, #tpu.memory_space<vmem>>
      %dma_wait3A_376 = tpu.memref_squeeze %dma_wait3A_375 : memref<1x128xi32, #tpu.memory_space<vmem>> -> memref<128xi32, #tpu.memory_space<vmem>>
      %dma_wait3A_377 = tpu.memref_slice %arg4[%add3A_373] : memref<327680xi32, #tpu.memory_space<hbm>> -> memref<128xi32, #tpu.memory_space<hbm>>
      %dma_wait3A_378 = arith.constant 0 : i32
      %dma_wait3A_379 = tpu.memref_slice %arg11[%scan3A_369, %dma_wait3A_378] : memref<80x128xi32, #tpu.memory_space<vmem>> -> memref<1x128xi32, #tpu.memory_space<vmem>>
      %dma_wait3A_380 = tpu.memref_squeeze %dma_wait3A_379 : memref<1x128xi32, #tpu.memory_space<vmem>> -> memref<128xi32, #tpu.memory_space<vmem>>
      %dma_wait3A_381 = tpu.memref_slice %arg4[%add3A_373] : memref<327680xi32, #tpu.memory_space<hbm>> -> memref<128xi32, #tpu.memory_space<hbm>>
      tpu.wait_dma2 semaphore(%arg18 : memref<!tpu.dma_semaphore, #tpu.memory_space<semaphore_mem>>) src(%dma_wait3A_381 : memref<128xi32, #tpu.memory_space<hbm>>) dst(%dma_wait3A_380 : memref<128xi32, #tpu.memory_space<vmem>>)
      %scan3A_382 = arith.constant 0 : i32
      scf.yield %scan3A_382 : i32
    }
    %scan3A_160 = arith.constant 80 : i32
    %scan3A_161 = arith.constant 0 : i32
    %scan3A_162 = arith.constant 0 : i32
    %scan3A_163 = arith.constant 8 : i32
    %scan3A_164 = arith.addi %scan3A_162, %scan3A_163 : i32
    %scan3A_165 = arith.constant 1 : i32
    %scan3A_166 = scf.for %scan3A_369 = %scan3A_162 to %scan3A_164 step %scan3A_165 iter_args(%scan3A_370 = %scan3A_161) -> (i32)  : i32 {
      %broadcast_in_dim3A = arith.constant 1.000000e+00 : f32
      %broadcast_in_dim3A_371 = vector.broadcast %broadcast_in_dim3A : f32 to vector<16xf32>
      %mul3A_372 = arith.constant 16 : i32
      %mul3A_373 = arith.muli %scan3A_369, %mul3A_372 : i32
      %swap3A = arith.index_cast %mul3A_373 : i32 to index
      %swap3A_374 = tpu.vector_load %arg12[%swap3A] {strides = array<i32>} : memref<128xf32, #tpu.memory_space<vmem>>, vector<16xf32>,
      %swap3A_375 = vector.shape_cast %swap3A_374 : vector<16xf32> to vector<16xf32>
      %swap3A_376 = vector.shape_cast %broadcast_in_dim3A_371 : vector<16xf32> to vector<16xf32>
      tpu.vector_store %arg12[%swap3A], %swap3A_376 {strides = array<i32>} : memref<128xf32, #tpu.memory_space<vmem>>, vector<16xf32>,
      %scan3A_377 = arith.constant 0 : i32
      scf.yield %scan3A_377 : i32
    }
    %scan3A_167 = arith.constant 8 : i32
    %scan3A_168 = arith.constant 0 : i32
    %scan3A_169 = arith.constant 0 : i32
    %scan3A_170 = arith.constant 40 : i32
    %scan3A_171 = arith.addi %scan3A_169, %scan3A_170 : i32
    %scan3A_172 = arith.constant 1 : i32
    %scan3A_173 = scf.for %scan3A_369 = %scan3A_169 to %scan3A_171 step %scan3A_172 iter_args(%scan3A_370 = %scan3A_168) -> (i32)  : i32 {
      %broadcast_in_dim3A = arith.constant 0.000000e+00 : f32
      %broadcast_in_dim3A_371 = vector.broadcast %broadcast_in_dim3A : f32 to vector<16xf32>
      %mul3A_372 = arith.constant 16 : i32
      %mul3A_373 = arith.muli %scan3A_369, %mul3A_372 : i32
      %swap3A = arith.index_cast %mul3A_373 : i32 to index
      %swap3A_374 = tpu.vector_load %arg13[%swap3A] {strides = array<i32>} : memref<640xf32, #tpu.memory_space<vmem>>, vector<16xf32>,
      %swap3A_375 = vector.shape_cast %swap3A_374 : vector<16xf32> to vector<16xf32>
      %swap3A_376 = vector.shape_cast %broadcast_in_dim3A_371 : vector<16xf32> to vector<16xf32>
      tpu.vector_store %arg13[%swap3A], %swap3A_376 {strides = array<i32>} : memref<640xf32, #tpu.memory_space<vmem>>, vector<16xf32>,
      %scan3A_377 = arith.constant 0 : i32
      scf.yield %scan3A_377 : i32
    }
    %scan3A_174 = arith.constant 40 : i32
    %mul3A_175 = arith.constant 640 : i32
    %mul3A_176 = arith.muli %arg1, %mul3A_175 : i32
    "tpu.region"() ({
      %run_scoped3A = tpu.sem_alloc : memref<!tpu.dma_semaphore, #tpu.memory_space<semaphore_mem>>
      %dma_start3A_369 = tpu.memref_slice %arg15[%mul3A_176] : memref<10240xf32, #tpu.memory_space<vmem_shared>> -> memref<640xf32, #tpu.memory_space<vmem_shared>>
      %dma_start3A_370 = tpu.memref_slice %arg15[%mul3A_176] : memref<10240xf32, #tpu.memory_space<vmem_shared>> -> memref<640xf32, #tpu.memory_space<vmem_shared>>
      tpu.enqueue_dma source(%arg13 : memref<640xf32, #tpu.memory_space<vmem>>) target(%dma_start3A_370 : memref<640xf32, #tpu.memory_space<vmem_shared>>) target_semaphore(%run_scoped3A : memref<!tpu.dma_semaphore, #tpu.memory_space<semaphore_mem>>)
      %dma_wait3A_371 = tpu.memref_slice %arg15[%mul3A_176] : memref<10240xf32, #tpu.memory_space<vmem_shared>> -> memref<640xf32, #tpu.memory_space<vmem_shared>>
      %dma_wait3A_372 = tpu.memref_slice %arg15[%mul3A_176] : memref<10240xf32, #tpu.memory_space<vmem_shared>> -> memref<640xf32, #tpu.memory_space<vmem_shared>>
      tpu.wait_dma2 semaphore(%run_scoped3A : memref<!tpu.dma_semaphore, #tpu.memory_space<semaphore_mem>>) src(%arg13 : memref<640xf32, #tpu.memory_space<vmem>>) dst(%dma_wait3A_372 : memref<640xf32, #tpu.memory_space<vmem_shared>>)
      tpu.yield
    }) : () -> ()
    %barrier3A = arith.constant 0 : index
    tpu.barrier barrier_id(%barrier3A)
    %add3A_177 = arith.constant 0 : i32
    %add3A_178 = arith.addi %mul3A_2, %add3A_177 : i32
    %dma_start3A_179 = tpu.memref_slice %arg3[%add3A_178] : memref<327680xi32, #tpu.memory_space<hbm>> -> memref<128xi32, #tpu.memory_space<hbm>>
    %dma_start3A_180 = tpu.memref_slice %arg3[%add3A_178] : memref<327680xi32, #tpu.memory_space<hbm>> -> memref<128xi32, #tpu.memory_space<hbm>>
    tpu.enqueue_dma source(%dma_start3A_180 : memref<128xi32, #tpu.memory_space<hbm>>) target(%arg9 : memref<128xi32, #tpu.memory_space<vmem>>) target_semaphore(%arg18 : memref<!tpu.dma_semaphore, #tpu.memory_space<semaphore_mem>>)
    %add3A_181 = arith.constant 0 : i32
    %add3A_182 = arith.addi %mul3A_2, %add3A_181 : i32
    %dma_wait3A_183 = tpu.memref_slice %arg3[%add3A_182] : memref<327680xi32, #tpu.memory_space<hbm>> -> memref<128xi32, #tpu.memory_space<hbm>>
    %dma_wait3A_184 = tpu.memref_slice %arg3[%add3A_182] : memref<327680xi32, #tpu.memory_space<hbm>> -> memref<128xi32, #tpu.memory_space<hbm>>
    tpu.wait_dma2 semaphore(%arg18 : memref<!tpu.dma_semaphore, #tpu.memory_space<semaphore_mem>>) src(%dma_wait3A_184 : memref<128xi32, #tpu.memory_space<hbm>>) dst(%arg9 : memref<128xi32, #tpu.memory_space<vmem>>)
    %dma_start3A_185 = arith.constant 0 : i32
    %dma_start3A_186 = arith.constant 0 : i32
    %dma_start3A_187 = tpu.memref_slice %arg2[%dma_start3A_185, %dma_start3A_186] : memref<10240x128xf32, #tpu.memory_space<hbm>> -> memref<10240x128xf32, #tpu.memory_space<hbm>>
    tpu.enqueue_indirect_dma source(%dma_start3A_187 : memref<10240x128xf32, #tpu.memory_space<hbm>>) target(%arg7 : memref<128x128xf32, #tpu.memory_space<vmem>>) offsets(%arg9 : memref<128xi32, #tpu.memory_space<vmem>>) semaphore(%arg16 : memref<!tpu.dma_semaphore, #tpu.memory_space<semaphore_mem>>)
    %add3A_188 = arith.constant 128 : i32
    %add3A_189 = arith.addi %mul3A_2, %add3A_188 : i32
    %dma_start3A_190 = tpu.memref_slice %arg3[%add3A_189] : memref<327680xi32, #tpu.memory_space<hbm>> -> memref<128xi32, #tpu.memory_space<hbm>>
    %dma_start3A_191 = tpu.memref_slice %arg3[%add3A_189] : memref<327680xi32, #tpu.memory_space<hbm>> -> memref<128xi32, #tpu.memory_space<hbm>>
    tpu.enqueue_dma source(%dma_start3A_191 : memref<128xi32, #tpu.memory_space<hbm>>) target(%arg10 : memref<128xi32, #tpu.memory_space<vmem>>) target_semaphore(%arg19 : memref<!tpu.dma_semaphore, #tpu.memory_space<semaphore_mem>>)
    %add3A_192 = arith.constant 128 : i32
    %add3A_193 = arith.addi %mul3A_2, %add3A_192 : i32
    %dma_wait3A_194 = tpu.memref_slice %arg3[%add3A_193] : memref<327680xi32, #tpu.memory_space<hbm>> -> memref<128xi32, #tpu.memory_space<hbm>>
    %dma_wait3A_195 = tpu.memref_slice %arg3[%add3A_193] : memref<327680xi32, #tpu.memory_space<hbm>> -> memref<128xi32, #tpu.memory_space<hbm>>
    tpu.wait_dma2 semaphore(%arg19 : memref<!tpu.dma_semaphore, #tpu.memory_space<semaphore_mem>>) src(%dma_wait3A_195 : memref<128xi32, #tpu.memory_space<hbm>>) dst(%arg10 : memref<128xi32, #tpu.memory_space<vmem>>)
    %dma_start3A_196 = arith.constant 0 : i32
    %dma_start3A_197 = arith.constant 0 : i32
    %dma_start3A_198 = tpu.memref_slice %arg2[%dma_start3A_196, %dma_start3A_197] : memref<10240x128xf32, #tpu.memory_space<hbm>> -> memref<10240x128xf32, #tpu.memory_space<hbm>>
    tpu.enqueue_indirect_dma source(%dma_start3A_198 : memref<10240x128xf32, #tpu.memory_space<hbm>>) target(%arg8 : memref<128x128xf32, #tpu.memory_space<vmem>>) offsets(%arg10 : memref<128xi32, #tpu.memory_space<vmem>>) semaphore(%arg17 : memref<!tpu.dma_semaphore, #tpu.memory_space<semaphore_mem>>)
    %scan3A_199 = arith.constant 0 : i32
    %scan3A_200 = arith.constant 0 : i32
    %scan3A_201 = arith.constant 39 : i32
    %scan3A_202 = arith.addi %scan3A_200, %scan3A_201 : i32
    %scan3A_203 = arith.constant 1 : i32
    %scan3A_204 = scf.for %scan3A_369 = %scan3A_200 to %scan3A_202 step %scan3A_203 iter_args(%scan3A_370 = %scan3A_199) -> (i32)  : i32 {
      %mul3A_371 = arith.constant 2 : i32
      %mul3A_372 = arith.muli %mul3A_371, %scan3A_369 : i32
      %dma_wait3A_373 = arith.constant 0 : i32
      %dma_wait3A_374 = arith.constant 0 : i32
      %dma_wait3A_375 = tpu.memref_slice %arg2[%dma_wait3A_373, %dma_wait3A_374] : memref<10240x128xf32, #tpu.memory_space<hbm>> -> memref<10240x128xf32, #tpu.memory_space<hbm>>
      tpu.wait_indirect_dma semaphore(%arg16 : memref<!tpu.dma_semaphore, #tpu.memory_space<semaphore_mem>>) src(%dma_wait3A_375 : memref<10240x128xf32, #tpu.memory_space<hbm>>) dst(%arg7 : memref<128x128xf32, #tpu.memory_space<vmem>>)
      %dma_start3A_376 = arith.constant 0 : i32
      %dma_start3A_377 = tpu.memref_slice %arg11[%mul3A_372, %dma_start3A_376] : memref<80x128xi32, #tpu.memory_space<vmem>> -> memref<1x128xi32, #tpu.memory_space<vmem>>
      %dma_start3A_378 = tpu.memref_squeeze %dma_start3A_377 : memref<1x128xi32, #tpu.memory_space<vmem>> -> memref<128xi32, #tpu.memory_space<vmem>>
      %dma_start3A_379 = arith.constant 0 : i32
      %dma_start3A_380 = arith.constant 0 : i32
      %dma_start3A_381 = tpu.memref_slice %arg14[%dma_start3A_379, %dma_start3A_380] : memref<10240x128xf32, #tpu.memory_space<vmem_shared>> -> memref<10240x128xf32, #tpu.memory_space<vmem_shared>>
      tpu.enqueue_indirect_dma source(%arg7 : memref<128x128xf32, #tpu.memory_space<vmem>>) target(%dma_start3A_381 : memref<10240x128xf32, #tpu.memory_space<vmem_shared>>) offsets(%dma_start3A_378 : memref<128xi32, #tpu.memory_space<vmem>>) semaphore(%arg20 : memref<!tpu.dma_semaphore, #tpu.memory_space<semaphore_mem>>) {add = true}
      %dma_start3A_382 = arith.constant 0 : i32
      %dma_start3A_383 = tpu.memref_slice %arg11[%mul3A_372, %dma_start3A_382] : memref<80x128xi32, #tpu.memory_space<vmem>> -> memref<1x128xi32, #tpu.memory_space<vmem>>
      %dma_start3A_384 = tpu.memref_squeeze %dma_start3A_383 : memref<1x128xi32, #tpu.memory_space<vmem>> -> memref<128xi32, #tpu.memory_space<vmem>>
      %dma_start3A_385 = arith.constant 0 : i32
      %dma_start3A_386 = tpu.memref_slice %arg15[%dma_start3A_385] : memref<10240xf32, #tpu.memory_space<vmem_shared>> -> memref<10240xf32, #tpu.memory_space<vmem_shared>>
      tpu.enqueue_indirect_dma source(%arg12 : memref<128xf32, #tpu.memory_space<vmem>>) target(%dma_start3A_386 : memref<10240xf32, #tpu.memory_space<vmem_shared>>) offsets(%dma_start3A_384 : memref<128xi32, #tpu.memory_space<vmem>>) semaphore(%arg20 : memref<!tpu.dma_semaphore, #tpu.memory_space<semaphore_mem>>) {add = true}
      %dma_wait3A_387 = arith.constant 0 : i32
      %dma_wait3A_388 = arith.constant 0 : i32
      %dma_wait3A_389 = tpu.memref_slice %arg2[%dma_wait3A_387, %dma_wait3A_388] : memref<10240x128xf32, #tpu.memory_space<hbm>> -> memref<10240x128xf32, #tpu.memory_space<hbm>>
      tpu.wait_indirect_dma semaphore(%arg17 : memref<!tpu.dma_semaphore, #tpu.memory_space<semaphore_mem>>) src(%dma_wait3A_389 : memref<10240x128xf32, #tpu.memory_space<hbm>>) dst(%arg8 : memref<128x128xf32, #tpu.memory_space<vmem>>)
      %add3A_390 = arith.constant 1 : i32
      %add3A_391 = arith.addi %mul3A_372, %add3A_390 : i32
      %dma_start3A_392 = arith.constant 0 : i32
      %dma_start3A_393 = tpu.memref_slice %arg11[%add3A_391, %dma_start3A_392] : memref<80x128xi32, #tpu.memory_space<vmem>> -> memref<1x128xi32, #tpu.memory_space<vmem>>
      %dma_start3A_394 = tpu.memref_squeeze %dma_start3A_393 : memref<1x128xi32, #tpu.memory_space<vmem>> -> memref<128xi32, #tpu.memory_space<vmem>>
      %dma_start3A_395 = arith.constant 0 : i32
      %dma_start3A_396 = arith.constant 0 : i32
      %dma_start3A_397 = tpu.memref_slice %arg14[%dma_start3A_395, %dma_start3A_396] : memref<10240x128xf32, #tpu.memory_space<vmem_shared>> -> memref<10240x128xf32, #tpu.memory_space<vmem_shared>>
      tpu.enqueue_indirect_dma source(%arg8 : memref<128x128xf32, #tpu.memory_space<vmem>>) target(%dma_start3A_397 : memref<10240x128xf32, #tpu.memory_space<vmem_shared>>) offsets(%dma_start3A_394 : memref<128xi32, #tpu.memory_space<vmem>>) semaphore(%arg21 : memref<!tpu.dma_semaphore, #tpu.memory_space<semaphore_mem>>) {add = true}
      %dma_start3A_398 = arith.constant 0 : i32
      %dma_start3A_399 = tpu.memref_slice %arg11[%add3A_391, %dma_start3A_398] : memref<80x128xi32, #tpu.memory_space<vmem>> -> memref<1x128xi32, #tpu.memory_space<vmem>>
      %dma_start3A_400 = tpu.memref_squeeze %dma_start3A_399 : memref<1x128xi32, #tpu.memory_space<vmem>> -> memref<128xi32, #tpu.memory_space<vmem>>
      %dma_start3A_401 = arith.constant 0 : i32
      %dma_start3A_402 = tpu.memref_slice %arg15[%dma_start3A_401] : memref<10240xf32, #tpu.memory_space<vmem_shared>> -> memref<10240xf32, #tpu.memory_space<vmem_shared>>
      tpu.enqueue_indirect_dma source(%arg12 : memref<128xf32, #tpu.memory_space<vmem>>) target(%dma_start3A_402 : memref<10240xf32, #tpu.memory_space<vmem_shared>>) offsets(%dma_start3A_400 : memref<128xi32, #tpu.memory_space<vmem>>) semaphore(%arg21 : memref<!tpu.dma_semaphore, #tpu.memory_space<semaphore_mem>>) {add = true}
      %add3A_403 = arith.constant 2 : i32
      %add3A_404 = arith.addi %mul3A_372, %add3A_403 : i32
      %mul3A_405 = arith.constant 128 : i32
      %mul3A_406 = arith.muli %add3A_404, %mul3A_405 : i32
      %add3A_407 = arith.addi %mul3A_2, %mul3A_406 : i32
      %dma_start3A_408 = tpu.memref_slice %arg3[%add3A_407] : memref<327680xi32, #tpu.memory_space<hbm>> -> memref<128xi32, #tpu.memory_space<hbm>>
      %dma_start3A_409 = tpu.memref_slice %arg3[%add3A_407] : memref<327680xi32, #tpu.memory_space<hbm>> -> memref<128xi32, #tpu.memory_space<hbm>>
      tpu.enqueue_dma source(%dma_start3A_409 : memref<128xi32, #tpu.memory_space<hbm>>) target(%arg9 : memref<128xi32, #tpu.memory_space<vmem>>) target_semaphore(%arg18 : memref<!tpu.dma_semaphore, #tpu.memory_space<semaphore_mem>>)
      %add3A_410 = arith.constant 3 : i32
      %add3A_411 = arith.addi %mul3A_372, %add3A_410 : i32
      %mul3A_412 = arith.constant 128 : i32
      %mul3A_413 = arith.muli %add3A_411, %mul3A_412 : i32
      %add3A_414 = arith.addi %mul3A_2, %mul3A_413 : i32
      %dma_start3A_415 = tpu.memref_slice %arg3[%add3A_414] : memref<327680xi32, #tpu.memory_space<hbm>> -> memref<128xi32, #tpu.memory_space<hbm>>
      %dma_start3A_416 = tpu.memref_slice %arg3[%add3A_414] : memref<327680xi32, #tpu.memory_space<hbm>> -> memref<128xi32, #tpu.memory_space<hbm>>
      tpu.enqueue_dma source(%dma_start3A_416 : memref<128xi32, #tpu.memory_space<hbm>>) target(%arg10 : memref<128xi32, #tpu.memory_space<vmem>>) target_semaphore(%arg19 : memref<!tpu.dma_semaphore, #tpu.memory_space<semaphore_mem>>)
      %dma_wait3A_417 = arith.constant 0 : i32
      %dma_wait3A_418 = tpu.memref_slice %arg11[%mul3A_372, %dma_wait3A_417] : memref<80x128xi32, #tpu.memory_space<vmem>> -> memref<1x128xi32, #tpu.memory_space<vmem>>
      %dma_wait3A_419 = tpu.memref_squeeze %dma_wait3A_418 : memref<1x128xi32, #tpu.memory_space<vmem>> -> memref<128xi32, #tpu.memory_space<vmem>>
      %dma_wait3A_420 = arith.constant 0 : i32
      %dma_wait3A_421 = arith.constant 0 : i32
      %dma_wait3A_422 = tpu.memref_slice %arg14[%dma_wait3A_420, %dma_wait3A_421] : memref<10240x128xf32, #tpu.memory_space<vmem_shared>> -> memref<10240x128xf32, #tpu.memory_space<vmem_shared>>
      tpu.wait_indirect_dma semaphore(%arg20 : memref<!tpu.dma_semaphore, #tpu.memory_space<semaphore_mem>>) src(%arg7 : memref<128x128xf32, #tpu.memory_space<vmem>>) dst(%dma_wait3A_422 : memref<10240x128xf32, #tpu.memory_space<vmem_shared>>)
      %dma_wait3A_423 = arith.constant 0 : i32
      %dma_wait3A_424 = tpu.memref_slice %arg11[%mul3A_372, %dma_wait3A_423] : memref<80x128xi32, #tpu.memory_space<vmem>> -> memref<1x128xi32, #tpu.memory_space<vmem>>
      %dma_wait3A_425 = tpu.memref_squeeze %dma_wait3A_424 : memref<1x128xi32, #tpu.memory_space<vmem>> -> memref<128xi32, #tpu.memory_space<vmem>>
      %dma_wait3A_426 = arith.constant 0 : i32
      %dma_wait3A_427 = tpu.memref_slice %arg15[%dma_wait3A_426] : memref<10240xf32, #tpu.memory_space<vmem_shared>> -> memref<10240xf32, #tpu.memory_space<vmem_shared>>
      tpu.wait_indirect_dma semaphore(%arg20 : memref<!tpu.dma_semaphore, #tpu.memory_space<semaphore_mem>>) src(%arg12 : memref<128xf32, #tpu.memory_space<vmem>>) dst(%dma_wait3A_427 : memref<10240xf32, #tpu.memory_space<vmem_shared>>)
      %add3A_428 = arith.constant 2 : i32
      %add3A_429 = arith.addi %mul3A_372, %add3A_428 : i32
      %mul3A_430 = arith.constant 128 : i32
      %mul3A_431 = arith.muli %add3A_429, %mul3A_430 : i32
      %add3A_432 = arith.addi %mul3A_2, %mul3A_431 : i32
      %dma_wait3A_433 = tpu.memref_slice %arg3[%add3A_432] : memref<327680xi32, #tpu.memory_space<hbm>> -> memref<128xi32, #tpu.memory_space<hbm>>
      %dma_wait3A_434 = tpu.memref_slice %arg3[%add3A_432] : memref<327680xi32, #tpu.memory_space<hbm>> -> memref<128xi32, #tpu.memory_space<hbm>>
      tpu.wait_dma2 semaphore(%arg18 : memref<!tpu.dma_semaphore, #tpu.memory_space<semaphore_mem>>) src(%dma_wait3A_434 : memref<128xi32, #tpu.memory_space<hbm>>) dst(%arg9 : memref<128xi32, #tpu.memory_space<vmem>>)
      %dma_start3A_435 = arith.constant 0 : i32
      %dma_start3A_436 = arith.constant 0 : i32
      %dma_start3A_437 = tpu.memref_slice %arg2[%dma_start3A_435, %dma_start3A_436] : memref<10240x128xf32, #tpu.memory_space<hbm>> -> memref<10240x128xf32, #tpu.memory_space<hbm>>
      tpu.enqueue_indirect_dma source(%dma_start3A_437 : memref<10240x128xf32, #tpu.memory_space<hbm>>) target(%arg7 : memref<128x128xf32, #tpu.memory_space<vmem>>) offsets(%arg9 : memref<128xi32, #tpu.memory_space<vmem>>) semaphore(%arg16 : memref<!tpu.dma_semaphore, #tpu.memory_space<semaphore_mem>>)
      %add3A_438 = arith.constant 1 : i32
      %add3A_439 = arith.addi %mul3A_372, %add3A_438 : i32
      %dma_wait3A_440 = arith.constant 0 : i32
      %dma_wait3A_441 = tpu.memref_slice %arg11[%add3A_439, %dma_wait3A_440] : memref<80x128xi32, #tpu.memory_space<vmem>> -> memref<1x128xi32, #tpu.memory_space<vmem>>
      %dma_wait3A_442 = tpu.memref_squeeze %dma_wait3A_441 : memref<1x128xi32, #tpu.memory_space<vmem>> -> memref<128xi32, #tpu.memory_space<vmem>>
      %dma_wait3A_443 = arith.constant 0 : i32
      %dma_wait3A_444 = arith.constant 0 : i32
      %dma_wait3A_445 = tpu.memref_slice %arg14[%dma_wait3A_443, %dma_wait3A_444] : memref<10240x128xf32, #tpu.memory_space<vmem_shared>> -> memref<10240x128xf32, #tpu.memory_space<vmem_shared>>
      tpu.wait_indirect_dma semaphore(%arg21 : memref<!tpu.dma_semaphore, #tpu.memory_space<semaphore_mem>>) src(%arg8 : memref<128x128xf32, #tpu.memory_space<vmem>>) dst(%dma_wait3A_445 : memref<10240x128xf32, #tpu.memory_space<vmem_shared>>)
      %dma_wait3A_446 = arith.constant 0 : i32
      %dma_wait3A_447 = tpu.memref_slice %arg11[%add3A_439, %dma_wait3A_446] : memref<80x128xi32, #tpu.memory_space<vmem>> -> memref<1x128xi32, #tpu.memory_space<vmem>>
      %dma_wait3A_448 = tpu.memref_squeeze %dma_wait3A_447 : memref<1x128xi32, #tpu.memory_space<vmem>> -> memref<128xi32, #tpu.memory_space<vmem>>
      %dma_wait3A_449 = arith.constant 0 : i32
      %dma_wait3A_450 = tpu.memref_slice %arg15[%dma_wait3A_449] : memref<10240xf32, #tpu.memory_space<vmem_shared>> -> memref<10240xf32, #tpu.memory_space<vmem_shared>>
      tpu.wait_indirect_dma semaphore(%arg21 : memref<!tpu.dma_semaphore, #tpu.memory_space<semaphore_mem>>) src(%arg12 : memref<128xf32, #tpu.memory_space<vmem>>) dst(%dma_wait3A_450 : memref<10240xf32, #tpu.memory_space<vmem_shared>>)
      %add3A_451 = arith.constant 3 : i32
      %add3A_452 = arith.addi %mul3A_372, %add3A_451 : i32
      %mul3A_453 = arith.constant 128 : i32
      %mul3A_454 = arith.muli %add3A_452, %mul3A_453 : i32
      %add3A_455 = arith.addi %mul3A_2, %mul3A_454 : i32
      %dma_wait3A_456 = tpu.memref_slice %arg3[%add3A_455] : memref<327680xi32, #tpu.memory_space<hbm>> -> memref<128xi32, #tpu.memory_space<hbm>>
      %dma_wait3A_457 = tpu.memref_slice %arg3[%add3A_455] : memref<327680xi32, #tpu.memory_space<hbm>> -> memref<128xi32, #tpu.memory_space<hbm>>
      tpu.wait_dma2 semaphore(%arg19 : memref<!tpu.dma_semaphore, #tpu.memory_space<semaphore_mem>>) src(%dma_wait3A_457 : memref<128xi32, #tpu.memory_space<hbm>>) dst(%arg10 : memref<128xi32, #tpu.memory_space<vmem>>)
      %dma_start3A_458 = arith.constant 0 : i32
      %dma_start3A_459 = arith.constant 0 : i32
      %dma_start3A_460 = tpu.memref_slice %arg2[%dma_start3A_458, %dma_start3A_459] : memref<10240x128xf32, #tpu.memory_space<hbm>> -> memref<10240x128xf32, #tpu.memory_space<hbm>>
      tpu.enqueue_indirect_dma source(%dma_start3A_460 : memref<10240x128xf32, #tpu.memory_space<hbm>>) target(%arg8 : memref<128x128xf32, #tpu.memory_space<vmem>>) offsets(%arg10 : memref<128xi32, #tpu.memory_space<vmem>>) semaphore(%arg17 : memref<!tpu.dma_semaphore, #tpu.memory_space<semaphore_mem>>)
      %scan3A_461 = arith.constant 0 : i32
      scf.yield %scan3A_461 : i32
    }
    %scan3A_205 = arith.constant 39 : i32
    %dma_wait3A_206 = arith.constant 0 : i32
    %dma_wait3A_207 = arith.constant 0 : i32
    %dma_wait3A_208 = tpu.memref_slice %arg2[%dma_wait3A_206, %dma_wait3A_207] : memref<10240x128xf32, #tpu.memory_space<hbm>> -> memref<10240x128xf32, #tpu.memory_space<hbm>>
    tpu.wait_indirect_dma semaphore(%arg16 : memref<!tpu.dma_semaphore, #tpu.memory_space<semaphore_mem>>) src(%dma_wait3A_208 : memref<10240x128xf32, #tpu.memory_space<hbm>>) dst(%arg7 : memref<128x128xf32, #tpu.memory_space<vmem>>)
    %dma_start3A_209 = arith.constant 78 : i32
    %dma_start3A_210 = arith.constant 0 : i32
    %dma_start3A_211 = tpu.memref_slice %arg11[%dma_start3A_209, %dma_start3A_210] : memref<80x128xi32, #tpu.memory_space<vmem>> -> memref<1x128xi32, #tpu.memory_space<vmem>>
    %dma_start3A_212 = tpu.memref_squeeze %dma_start3A_211 : memref<1x128xi32, #tpu.memory_space<vmem>> -> memref<128xi32, #tpu.memory_space<vmem>>
    %dma_start3A_213 = arith.constant 0 : i32
    %dma_start3A_214 = arith.constant 0 : i32
    %dma_start3A_215 = tpu.memref_slice %arg14[%dma_start3A_213, %dma_start3A_214] : memref<10240x128xf32, #tpu.memory_space<vmem_shared>> -> memref<10240x128xf32, #tpu.memory_space<vmem_shared>>
    tpu.enqueue_indirect_dma source(%arg7 : memref<128x128xf32, #tpu.memory_space<vmem>>) target(%dma_start3A_215 : memref<10240x128xf32, #tpu.memory_space<vmem_shared>>) offsets(%dma_start3A_212 : memref<128xi32, #tpu.memory_space<vmem>>) semaphore(%arg20 : memref<!tpu.dma_semaphore, #tpu.memory_space<semaphore_mem>>) {add = true}
    %dma_start3A_216 = arith.constant 78 : i32
    %dma_start3A_217 = arith.constant 0 : i32
    %dma_start3A_218 = tpu.memref_slice %arg11[%dma_start3A_216, %dma_start3A_217] : memref<80x128xi32, #tpu.memory_space<vmem>> -> memref<1x128xi32, #tpu.memory_space<vmem>>
    %dma_start3A_219 = tpu.memref_squeeze %dma_start3A_218 : memref<1x128xi32, #tpu.memory_space<vmem>> -> memref<128xi32, #tpu.memory_space<vmem>>
    %dma_start3A_220 = arith.constant 0 : i32
    %dma_start3A_221 = tpu.memref_slice %arg15[%dma_start3A_220] : memref<10240xf32, #tpu.memory_space<vmem_shared>> -> memref<10240xf32, #tpu.memory_space<vmem_shared>>
    tpu.enqueue_indirect_dma source(%arg12 : memref<128xf32, #tpu.memory_space<vmem>>) target(%dma_start3A_221 : memref<10240xf32, #tpu.memory_space<vmem_shared>>) offsets(%dma_start3A_219 : memref<128xi32, #tpu.memory_space<vmem>>) semaphore(%arg20 : memref<!tpu.dma_semaphore, #tpu.memory_space<semaphore_mem>>) {add = true}
    %dma_wait3A_222 = arith.constant 0 : i32
    %dma_wait3A_223 = arith.constant 0 : i32
    %dma_wait3A_224 = tpu.memref_slice %arg2[%dma_wait3A_222, %dma_wait3A_223] : memref<10240x128xf32, #tpu.memory_space<hbm>> -> memref<10240x128xf32, #tpu.memory_space<hbm>>
    tpu.wait_indirect_dma semaphore(%arg17 : memref<!tpu.dma_semaphore, #tpu.memory_space<semaphore_mem>>) src(%dma_wait3A_224 : memref<10240x128xf32, #tpu.memory_space<hbm>>) dst(%arg8 : memref<128x128xf32, #tpu.memory_space<vmem>>)
    %dma_start3A_225 = arith.constant 79 : i32
    %dma_start3A_226 = arith.constant 0 : i32
    %dma_start3A_227 = tpu.memref_slice %arg11[%dma_start3A_225, %dma_start3A_226] : memref<80x128xi32, #tpu.memory_space<vmem>> -> memref<1x128xi32, #tpu.memory_space<vmem>>
    %dma_start3A_228 = tpu.memref_squeeze %dma_start3A_227 : memref<1x128xi32, #tpu.memory_space<vmem>> -> memref<128xi32, #tpu.memory_space<vmem>>
    %dma_start3A_229 = arith.constant 0 : i32
    %dma_start3A_230 = arith.constant 0 : i32
    %dma_start3A_231 = tpu.memref_slice %arg14[%dma_start3A_229, %dma_start3A_230] : memref<10240x128xf32, #tpu.memory_space<vmem_shared>> -> memref<10240x128xf32, #tpu.memory_space<vmem_shared>>
    tpu.enqueue_indirect_dma source(%arg8 : memref<128x128xf32, #tpu.memory_space<vmem>>) target(%dma_start3A_231 : memref<10240x128xf32, #tpu.memory_space<vmem_shared>>) offsets(%dma_start3A_228 : memref<128xi32, #tpu.memory_space<vmem>>) semaphore(%arg21 : memref<!tpu.dma_semaphore, #tpu.memory_space<semaphore_mem>>) {add = true}
    %dma_start3A_232 = arith.constant 79 : i32
    %dma_start3A_233 = arith.constant 0 : i32
    %dma_start3A_234 = tpu.memref_slice %arg11[%dma_start3A_232, %dma_start3A_233] : memref<80x128xi32, #tpu.memory_space<vmem>> -> memref<1x128xi32, #tpu.memory_space<vmem>>
    %dma_start3A_235 = tpu.memref_squeeze %dma_start3A_234 : memref<1x128xi32, #tpu.memory_space<vmem>> -> memref<128xi32, #tpu.memory_space<vmem>>
    %dma_start3A_236 = arith.constant 0 : i32
    %dma_start3A_237 = tpu.memref_slice %arg15[%dma_start3A_236] : memref<10240xf32, #tpu.memory_space<vmem_shared>> -> memref<10240xf32, #tpu.memory_space<vmem_shared>>
    tpu.enqueue_indirect_dma source(%arg12 : memref<128xf32, #tpu.memory_space<vmem>>) target(%dma_start3A_237 : memref<10240xf32, #tpu.memory_space<vmem_shared>>) offsets(%dma_start3A_235 : memref<128xi32, #tpu.memory_space<vmem>>) semaphore(%arg21 : memref<!tpu.dma_semaphore, #tpu.memory_space<semaphore_mem>>) {add = true}
    %dma_wait3A_238 = arith.constant 78 : i32
    %dma_wait3A_239 = arith.constant 0 : i32
    %dma_wait3A_240 = tpu.memref_slice %arg11[%dma_wait3A_238, %dma_wait3A_239] : memref<80x128xi32, #tpu.memory_space<vmem>> -> memref<1x128xi32, #tpu.memory_space<vmem>>
    %dma_wait3A_241 = tpu.memref_squeeze %dma_wait3A_240 : memref<1x128xi32, #tpu.memory_space<vmem>> -> memref<128xi32, #tpu.memory_space<vmem>>
    %dma_wait3A_242 = arith.constant 0 : i32
    %dma_wait3A_243 = arith.constant 0 : i32
    %dma_wait3A_244 = tpu.memref_slice %arg14[%dma_wait3A_242, %dma_wait3A_243] : memref<10240x128xf32, #tpu.memory_space<vmem_shared>> -> memref<10240x128xf32, #tpu.memory_space<vmem_shared>>
    tpu.wait_indirect_dma semaphore(%arg20 : memref<!tpu.dma_semaphore, #tpu.memory_space<semaphore_mem>>) src(%arg7 : memref<128x128xf32, #tpu.memory_space<vmem>>) dst(%dma_wait3A_244 : memref<10240x128xf32, #tpu.memory_space<vmem_shared>>)
    %dma_wait3A_245 = arith.constant 78 : i32
    %dma_wait3A_246 = arith.constant 0 : i32
    %dma_wait3A_247 = tpu.memref_slice %arg11[%dma_wait3A_245, %dma_wait3A_246] : memref<80x128xi32, #tpu.memory_space<vmem>> -> memref<1x128xi32, #tpu.memory_space<vmem>>
    %dma_wait3A_248 = tpu.memref_squeeze %dma_wait3A_247 : memref<1x128xi32, #tpu.memory_space<vmem>> -> memref<128xi32, #tpu.memory_space<vmem>>
    %dma_wait3A_249 = arith.constant 0 : i32
    %dma_wait3A_250 = tpu.memref_slice %arg15[%dma_wait3A_249] : memref<10240xf32, #tpu.memory_space<vmem_shared>> -> memref<10240xf32, #tpu.memory_space<vmem_shared>>
    tpu.wait_indirect_dma semaphore(%arg20 : memref<!tpu.dma_semaphore, #tpu.memory_space<semaphore_mem>>) src(%arg12 : memref<128xf32, #tpu.memory_space<vmem>>) dst(%dma_wait3A_250 : memref<10240xf32, #tpu.memory_space<vmem_shared>>)
    %dma_wait3A_251 = arith.constant 79 : i32
    %dma_wait3A_252 = arith.constant 0 : i32
    %dma_wait3A_253 = tpu.memref_slice %arg11[%dma_wait3A_251, %dma_wait3A_252] : memref<80x128xi32, #tpu.memory_space<vmem>> -> memref<1x128xi32, #tpu.memory_space<vmem>>
    %dma_wait3A_254 = tpu.memref_squeeze %dma_wait3A_253 : memref<1x128xi32, #tpu.memory_space<vmem>> -> memref<128xi32, #tpu.memory_space<vmem>>
    %dma_wait3A_255 = arith.constant 0 : i32
    %dma_wait3A_256 = arith.constant 0 : i32
    %dma_wait3A_257 = tpu.memref_slice %arg14[%dma_wait3A_255, %dma_wait3A_256] : memref<10240x128xf32, #tpu.memory_space<vmem_shared>> -> memref<10240x128xf32, #tpu.memory_space<vmem_shared>>
    tpu.wait_indirect_dma semaphore(%arg21 : memref<!tpu.dma_semaphore, #tpu.memory_space<semaphore_mem>>) src(%arg8 : memref<128x128xf32, #tpu.memory_space<vmem>>) dst(%dma_wait3A_257 : memref<10240x128xf32, #tpu.memory_space<vmem_shared>>)
    %dma_wait3A_258 = arith.constant 79 : i32
    %dma_wait3A_259 = arith.constant 0 : i32
    %dma_wait3A_260 = tpu.memref_slice %arg11[%dma_wait3A_258, %dma_wait3A_259] : memref<80x128xi32, #tpu.memory_space<vmem>> -> memref<1x128xi32, #tpu.memory_space<vmem>>
    %dma_wait3A_261 = tpu.memref_squeeze %dma_wait3A_260 : memref<1x128xi32, #tpu.memory_space<vmem>> -> memref<128xi32, #tpu.memory_space<vmem>>
    %dma_wait3A_262 = arith.constant 0 : i32
    %dma_wait3A_263 = tpu.memref_slice %arg15[%dma_wait3A_262] : memref<10240xf32, #tpu.memory_space<vmem_shared>> -> memref<10240xf32, #tpu.memory_space<vmem_shared>>
    tpu.wait_indirect_dma semaphore(%arg21 : memref<!tpu.dma_semaphore, #tpu.memory_space<semaphore_mem>>) src(%arg12 : memref<128xf32, #tpu.memory_space<vmem>>) dst(%dma_wait3A_263 : memref<10240xf32, #tpu.memory_space<vmem_shared>>)
    %barrier3A_264 = arith.constant 0 : index
    tpu.barrier barrier_id(%barrier3A_264)
    %mul3A_265 = arith.constant 640 : i32
    %mul3A_266 = arith.muli %arg1, %mul3A_265 : i32
    %add3A_267 = arith.constant 0 : i32
    %add3A_268 = arith.addi %mul3A_266, %add3A_267 : i32
    %dma_start3A_269 = arith.constant 0 : i32
    %dma_start3A_270 = tpu.memref_slice %arg5[%arg0, %add3A_268, %dma_start3A_269] : memref<2x10240x128xf32, #tpu.memory_space<hbm>> -> memref<1x128x128xf32, #tpu.memory_space<hbm>>
    %dma_start3A_271 = tpu.memref_squeeze %dma_start3A_270 : memref<1x128x128xf32, #tpu.memory_space<hbm>> -> memref<128x128xf32, #tpu.memory_space<hbm>>
    %dma_start3A_272 = arith.constant 0 : i32
    %dma_start3A_273 = tpu.memref_slice %arg14[%add3A_268, %dma_start3A_272] : memref<10240x128xf32, #tpu.memory_space<vmem_shared>> -> memref<128x128xf32, #tpu.memory_space<vmem_shared>>
    tpu.enqueue_dma source(%dma_start3A_273 : memref<128x128xf32, #tpu.memory_space<vmem_shared>>) target(%dma_start3A_271 : memref<128x128xf32, #tpu.memory_space<hbm>>) target_semaphore(%arg16 : memref<!tpu.dma_semaphore, #tpu.memory_space<semaphore_mem>>)
    %mul3A_274 = arith.constant 640 : i32
    %mul3A_275 = arith.muli %arg1, %mul3A_274 : i32
    %add3A_276 = arith.constant 128 : i32
    %add3A_277 = arith.addi %mul3A_275, %add3A_276 : i32
    %dma_start3A_278 = arith.constant 0 : i32
    %dma_start3A_279 = tpu.memref_slice %arg5[%arg0, %add3A_277, %dma_start3A_278] : memref<2x10240x128xf32, #tpu.memory_space<hbm>> -> memref<1x128x128xf32, #tpu.memory_space<hbm>>
    %dma_start3A_280 = tpu.memref_squeeze %dma_start3A_279 : memref<1x128x128xf32, #tpu.memory_space<hbm>> -> memref<128x128xf32, #tpu.memory_space<hbm>>
    %dma_start3A_281 = arith.constant 0 : i32
    %dma_start3A_282 = tpu.memref_slice %arg14[%add3A_277, %dma_start3A_281] : memref<10240x128xf32, #tpu.memory_space<vmem_shared>> -> memref<128x128xf32, #tpu.memory_space<vmem_shared>>
    tpu.enqueue_dma source(%dma_start3A_282 : memref<128x128xf32, #tpu.memory_space<vmem_shared>>) target(%dma_start3A_280 : memref<128x128xf32, #tpu.memory_space<hbm>>) target_semaphore(%arg16 : memref<!tpu.dma_semaphore, #tpu.memory_space<semaphore_mem>>)
    %mul3A_283 = arith.constant 640 : i32
    %mul3A_284 = arith.muli %arg1, %mul3A_283 : i32
    %add3A_285 = arith.constant 256 : i32
    %add3A_286 = arith.addi %mul3A_284, %add3A_285 : i32
    %dma_start3A_287 = arith.constant 0 : i32
    %dma_start3A_288 = tpu.memref_slice %arg5[%arg0, %add3A_286, %dma_start3A_287] : memref<2x10240x128xf32, #tpu.memory_space<hbm>> -> memref<1x128x128xf32, #tpu.memory_space<hbm>>
    %dma_start3A_289 = tpu.memref_squeeze %dma_start3A_288 : memref<1x128x128xf32, #tpu.memory_space<hbm>> -> memref<128x128xf32, #tpu.memory_space<hbm>>
    %dma_start3A_290 = arith.constant 0 : i32
    %dma_start3A_291 = tpu.memref_slice %arg14[%add3A_286, %dma_start3A_290] : memref<10240x128xf32, #tpu.memory_space<vmem_shared>> -> memref<128x128xf32, #tpu.memory_space<vmem_shared>>
    tpu.enqueue_dma source(%dma_start3A_291 : memref<128x128xf32, #tpu.memory_space<vmem_shared>>) target(%dma_start3A_289 : memref<128x128xf32, #tpu.memory_space<hbm>>) target_semaphore(%arg16 : memref<!tpu.dma_semaphore, #tpu.memory_space<semaphore_mem>>)
    %mul3A_292 = arith.constant 640 : i32
    %mul3A_293 = arith.muli %arg1, %mul3A_292 : i32
    %add3A_294 = arith.constant 384 : i32
    %add3A_295 = arith.addi %mul3A_293, %add3A_294 : i32
    %dma_start3A_296 = arith.constant 0 : i32
    %dma_start3A_297 = tpu.memref_slice %arg5[%arg0, %add3A_295, %dma_start3A_296] : memref<2x10240x128xf32, #tpu.memory_space<hbm>> -> memref<1x128x128xf32, #tpu.memory_space<hbm>>
    %dma_start3A_298 = tpu.memref_squeeze %dma_start3A_297 : memref<1x128x128xf32, #tpu.memory_space<hbm>> -> memref<128x128xf32, #tpu.memory_space<hbm>>
    %dma_start3A_299 = arith.constant 0 : i32
    %dma_start3A_300 = tpu.memref_slice %arg14[%add3A_295, %dma_start3A_299] : memref<10240x128xf32, #tpu.memory_space<vmem_shared>> -> memref<128x128xf32, #tpu.memory_space<vmem_shared>>
    tpu.enqueue_dma source(%dma_start3A_300 : memref<128x128xf32, #tpu.memory_space<vmem_shared>>) target(%dma_start3A_298 : memref<128x128xf32, #tpu.memory_space<hbm>>) target_semaphore(%arg16 : memref<!tpu.dma_semaphore, #tpu.memory_space<semaphore_mem>>)
    %mul3A_301 = arith.constant 640 : i32
    %mul3A_302 = arith.muli %arg1, %mul3A_301 : i32
    %add3A_303 = arith.constant 512 : i32
    %add3A_304 = arith.addi %mul3A_302, %add3A_303 : i32
    %dma_start3A_305 = arith.constant 0 : i32
    %dma_start3A_306 = tpu.memref_slice %arg5[%arg0, %add3A_304, %dma_start3A_305] : memref<2x10240x128xf32, #tpu.memory_space<hbm>> -> memref<1x128x128xf32, #tpu.memory_space<hbm>>
    %dma_start3A_307 = tpu.memref_squeeze %dma_start3A_306 : memref<1x128x128xf32, #tpu.memory_space<hbm>> -> memref<128x128xf32, #tpu.memory_space<hbm>>
    %dma_start3A_308 = arith.constant 0 : i32
    %dma_start3A_309 = tpu.memref_slice %arg14[%add3A_304, %dma_start3A_308] : memref<10240x128xf32, #tpu.memory_space<vmem_shared>> -> memref<128x128xf32, #tpu.memory_space<vmem_shared>>
    tpu.enqueue_dma source(%dma_start3A_309 : memref<128x128xf32, #tpu.memory_space<vmem_shared>>) target(%dma_start3A_307 : memref<128x128xf32, #tpu.memory_space<hbm>>) target_semaphore(%arg16 : memref<!tpu.dma_semaphore, #tpu.memory_space<semaphore_mem>>)
    %mul3A_310 = arith.constant 640 : i32
    %mul3A_311 = arith.muli %arg1, %mul3A_310 : i32
    %mul3A_312 = arith.constant 640 : i32
    %mul3A_313 = arith.muli %arg1, %mul3A_312 : i32
    %dma_start3A_314 = tpu.memref_slice %arg6[%arg0, %mul3A_313] : memref<2x10240xf32, #tpu.memory_space<hbm>> -> memref<1x640xf32, #tpu.memory_space<hbm>>
    %dma_start3A_315 = tpu.memref_squeeze %dma_start3A_314 : memref<1x640xf32, #tpu.memory_space<hbm>> -> memref<640xf32, #tpu.memory_space<hbm>>
    %dma_start3A_316 = tpu.memref_slice %arg15[%mul3A_311] : memref<10240xf32, #tpu.memory_space<vmem_shared>> -> memref<640xf32, #tpu.memory_space<vmem_shared>>
    tpu.enqueue_dma source(%dma_start3A_316 : memref<640xf32, #tpu.memory_space<vmem_shared>>) target(%dma_start3A_315 : memref<640xf32, #tpu.memory_space<hbm>>) target_semaphore(%arg17 : memref<!tpu.dma_semaphore, #tpu.memory_space<semaphore_mem>>)
    %mul3A_317 = arith.constant 640 : i32
    %mul3A_318 = arith.muli %arg1, %mul3A_317 : i32
    %add3A_319 = arith.constant 0 : i32
    %add3A_320 = arith.addi %mul3A_318, %add3A_319 : i32
    %dma_wait3A_321 = arith.constant 0 : i32
    %dma_wait3A_322 = tpu.memref_slice %arg5[%arg0, %add3A_320, %dma_wait3A_321] : memref<2x10240x128xf32, #tpu.memory_space<hbm>> -> memref<1x128x128xf32, #tpu.memory_space<hbm>>
    %dma_wait3A_323 = tpu.memref_squeeze %dma_wait3A_322 : memref<1x128x128xf32, #tpu.memory_space<hbm>> -> memref<128x128xf32, #tpu.memory_space<hbm>>
    %dma_wait3A_324 = arith.constant 0 : i32
    %dma_wait3A_325 = tpu.memref_slice %arg14[%add3A_320, %dma_wait3A_324] : memref<10240x128xf32, #tpu.memory_space<vmem_shared>> -> memref<128x128xf32, #tpu.memory_space<vmem_shared>>
    tpu.wait_dma2 semaphore(%arg16 : memref<!tpu.dma_semaphore, #tpu.memory_space<semaphore_mem>>) src(%dma_wait3A_325 : memref<128x128xf32, #tpu.memory_space<vmem_shared>>) dst(%dma_wait3A_323 : memref<128x128xf32, #tpu.memory_space<hbm>>)
    %mul3A_326 = arith.constant 640 : i32
    %mul3A_327 = arith.muli %arg1, %mul3A_326 : i32
    %add3A_328 = arith.constant 128 : i32
    %add3A_329 = arith.addi %mul3A_327, %add3A_328 : i32
    %dma_wait3A_330 = arith.constant 0 : i32
    %dma_wait3A_331 = tpu.memref_slice %arg5[%arg0, %add3A_329, %dma_wait3A_330] : memref<2x10240x128xf32, #tpu.memory_space<hbm>> -> memref<1x128x128xf32, #tpu.memory_space<hbm>>
    %dma_wait3A_332 = tpu.memref_squeeze %dma_wait3A_331 : memref<1x128x128xf32, #tpu.memory_space<hbm>> -> memref<128x128xf32, #tpu.memory_space<hbm>>
    %dma_wait3A_333 = arith.constant 0 : i32
    %dma_wait3A_334 = tpu.memref_slice %arg14[%add3A_329, %dma_wait3A_333] : memref<10240x128xf32, #tpu.memory_space<vmem_shared>> -> memref<128x128xf32, #tpu.memory_space<vmem_shared>>
    tpu.wait_dma2 semaphore(%arg16 : memref<!tpu.dma_semaphore, #tpu.memory_space<semaphore_mem>>) src(%dma_wait3A_334 : memref<128x128xf32, #tpu.memory_space<vmem_shared>>) dst(%dma_wait3A_332 : memref<128x128xf32, #tpu.memory_space<hbm>>)
    %mul3A_335 = arith.constant 640 : i32
    %mul3A_336 = arith.muli %arg1, %mul3A_335 : i32
    %add3A_337 = arith.constant 256 : i32
    %add3A_338 = arith.addi %mul3A_336, %add3A_337 : i32
    %dma_wait3A_339 = arith.constant 0 : i32
    %dma_wait3A_340 = tpu.memref_slice %arg5[%arg0, %add3A_338, %dma_wait3A_339] : memref<2x10240x128xf32, #tpu.memory_space<hbm>> -> memref<1x128x128xf32, #tpu.memory_space<hbm>>
    %dma_wait3A_341 = tpu.memref_squeeze %dma_wait3A_340 : memref<1x128x128xf32, #tpu.memory_space<hbm>> -> memref<128x128xf32, #tpu.memory_space<hbm>>
    %dma_wait3A_342 = arith.constant 0 : i32
    %dma_wait3A_343 = tpu.memref_slice %arg14[%add3A_338, %dma_wait3A_342] : memref<10240x128xf32, #tpu.memory_space<vmem_shared>> -> memref<128x128xf32, #tpu.memory_space<vmem_shared>>
    tpu.wait_dma2 semaphore(%arg16 : memref<!tpu.dma_semaphore, #tpu.memory_space<semaphore_mem>>) src(%dma_wait3A_343 : memref<128x128xf32, #tpu.memory_space<vmem_shared>>) dst(%dma_wait3A_341 : memref<128x128xf32, #tpu.memory_space<hbm>>)
    %mul3A_344 = arith.constant 640 : i32
    %mul3A_345 = arith.muli %arg1, %mul3A_344 : i32
    %add3A_346 = arith.constant 384 : i32
    %add3A_347 = arith.addi %mul3A_345, %add3A_346 : i32
    %dma_wait3A_348 = arith.constant 0 : i32
    %dma_wait3A_349 = tpu.memref_slice %arg5[%arg0, %add3A_347, %dma_wait3A_348] : memref<2x10240x128xf32, #tpu.memory_space<hbm>> -> memref<1x128x128xf32, #tpu.memory_space<hbm>>
    %dma_wait3A_350 = tpu.memref_squeeze %dma_wait3A_349 : memref<1x128x128xf32, #tpu.memory_space<hbm>> -> memref<128x128xf32, #tpu.memory_space<hbm>>
    %dma_wait3A_351 = arith.constant 0 : i32
    %dma_wait3A_352 = tpu.memref_slice %arg14[%add3A_347, %dma_wait3A_351] : memref<10240x128xf32, #tpu.memory_space<vmem_shared>> -> memref<128x128xf32, #tpu.memory_space<vmem_shared>>
    tpu.wait_dma2 semaphore(%arg16 : memref<!tpu.dma_semaphore, #tpu.memory_space<semaphore_mem>>) src(%dma_wait3A_352 : memref<128x128xf32, #tpu.memory_space<vmem_shared>>) dst(%dma_wait3A_350 : memref<128x128xf32, #tpu.memory_space<hbm>>)
    %mul3A_353 = arith.constant 640 : i32
    %mul3A_354 = arith.muli %arg1, %mul3A_353 : i32
    %add3A_355 = arith.constant 512 : i32
    %add3A_356 = arith.addi %mul3A_354, %add3A_355 : i32
    %dma_wait3A_357 = arith.constant 0 : i32
    %dma_wait3A_358 = tpu.memref_slice %arg5[%arg0, %add3A_356, %dma_wait3A_357] : memref<2x10240x128xf32, #tpu.memory_space<hbm>> -> memref<1x128x128xf32, #tpu.memory_space<hbm>>
    %dma_wait3A_359 = tpu.memref_squeeze %dma_wait3A_358 : memref<1x128x128xf32, #tpu.memory_space<hbm>> -> memref<128x128xf32, #tpu.memory_space<hbm>>
    %dma_wait3A_360 = arith.constant 0 : i32
    %dma_wait3A_361 = tpu.memref_slice %arg14[%add3A_356, %dma_wait3A_360] : memref<10240x128xf32, #tpu.memory_space<vmem_shared>> -> memref<128x128xf32, #tpu.memory_space<vmem_shared>>
    tpu.wait_dma2 semaphore(%arg16 : memref<!tpu.dma_semaphore, #tpu.memory_space<semaphore_mem>>) src(%dma_wait3A_361 : memref<128x128xf32, #tpu.memory_space<vmem_shared>>) dst(%dma_wait3A_359 : memref<128x128xf32, #tpu.memory_space<hbm>>)
    %mul3A_362 = arith.constant 640 : i32
    %mul3A_363 = arith.muli %arg1, %mul3A_362 : i32
    %mul3A_364 = arith.constant 640 : i32
    %mul3A_365 = arith.muli %arg1, %mul3A_364 : i32
    %dma_wait3A_366 = tpu.memref_slice %arg6[%arg0, %mul3A_365] : memref<2x10240xf32, #tpu.memory_space<hbm>> -> memref<1x640xf32, #tpu.memory_space<hbm>>
    %dma_wait3A_367 = tpu.memref_squeeze %dma_wait3A_366 : memref<1x640xf32, #tpu.memory_space<hbm>> -> memref<640xf32, #tpu.memory_space<hbm>>
    %dma_wait3A_368 = tpu.memref_slice %arg15[%mul3A_363] : memref<10240xf32, #tpu.memory_space<vmem_shared>> -> memref<640xf32, #tpu.memory_space<vmem_shared>>
    tpu.wait_dma2 semaphore(%arg17 : memref<!tpu.dma_semaphore, #tpu.memory_space<semaphore_mem>>) src(%dma_wait3A_368 : memref<640xf32, #tpu.memory_space<vmem_shared>>) dst(%dma_wait3A_367 : memref<640xf32, #tpu.memory_space<hbm>>)
    return
  }
}

module attributes {stable_mosaic.version = 14 : i64} {
  func.func @_dense_body(%arg0: i32, %arg1: memref<2x1024x128xf32, #tpu.memory_space<vmem>>, %arg2: memref<2x1024xf32, #tpu.memory_space<vmem>>, %arg3: memref<1024x128xf32, #tpu.memory_space<vmem>>, %arg4: memref<128x128xf32, #tpu.memory_space<vmem>>, %arg5: memref<1x128xf32, #tpu.memory_space<vmem>>, %arg6: memref<128x128xf32, #tpu.memory_space<vmem>>, %arg7: memref<1024x128xf32, #tpu.memory_space<vmem>>) attributes {dimension_semantics = [#tpu.dimension_semantics<arbitrary>], iteration_bounds = array<i64: 10>, scalar_prefetch = 0 : i64, scratch_operands = 0 : i64, tpu.core_type = #tpu.core_type<tc>, window_params = [{transform_indices = @transform_0, window_bounds = array<i64: 2, 1024, 128>}, {transform_indices = @transform_1, window_bounds = array<i64: 2, 1024>}, {transform_indices = @transform_2, window_bounds = array<i64: 1024, 128>}, {pipeline_mode = #tpu.pipeline_mode<synchronous>, transform_indices = @transform_3, window_bounds = array<i64: 128, 128>}, {pipeline_mode = #tpu.pipeline_mode<synchronous>, transform_indices = @transform_4, window_bounds = array<i64: 1, 128>}, {pipeline_mode = #tpu.pipeline_mode<synchronous>, transform_indices = @transform_5, window_bounds = array<i64: 128, 128>}, {transform_indices = @transform_6, window_bounds = array<i64: 1024, 128>}]} {
    %get3A = arith.constant 0 : index
    %get3A_0 = arith.constant 0 : index
    %get3A_1 = arith.constant 0 : index
    %get3A_2 = vector.load %arg1[%get3A, %get3A_0, %get3A_1] : memref<2x1024x128xf32, #tpu.memory_space<vmem>>, vector<1x1024x128xf32>
    %get3A_3 = vector.shape_cast %get3A_2 : vector<1x1024x128xf32> to vector<1024x128xf32>
    %get3A_4 = arith.constant 1 : index
    %get3A_5 = arith.constant 0 : index
    %get3A_6 = arith.constant 0 : index
    %get3A_7 = vector.load %arg1[%get3A_4, %get3A_5, %get3A_6] : memref<2x1024x128xf32, #tpu.memory_space<vmem>>, vector<1x1024x128xf32>
    %get3A_8 = vector.shape_cast %get3A_7 : vector<1x1024x128xf32> to vector<1024x128xf32>
    %add3A = arith.addf %get3A_3, %get3A_8 : vector<1024x128xf32>
    %get3A_9 = arith.constant 0 : index
    %get3A_10 = arith.constant 0 : index
    %get3A_11 = vector.load %arg2[%get3A_9, %get3A_10] : memref<2x1024xf32, #tpu.memory_space<vmem>>, vector<1x1024xf32>
    %get3A_12 = vector.shape_cast %get3A_11 : vector<1x1024xf32> to vector<1024xf32>
    %get3A_13 = arith.constant 1 : index
    %get3A_14 = arith.constant 0 : index
    %get3A_15 = vector.load %arg2[%get3A_13, %get3A_14] : memref<2x1024xf32, #tpu.memory_space<vmem>>, vector<1x1024xf32>
    %get3A_16 = vector.shape_cast %get3A_15 : vector<1x1024xf32> to vector<1024xf32>
    %add3A_17 = arith.addf %get3A_12, %get3A_16 : vector<1024xf32>
    %broadcast_in_dim3A = vector.shape_cast %add3A_17 : vector<1024xf32> to vector<1024x1xf32>
    %max3A = arith.constant 1.000000e+00 : f32
    %max3A_18 = vector.broadcast %max3A : f32 to vector<1024x1xf32>
    %max3A_19 = arith.maximumf %broadcast_in_dim3A, %max3A_18 : vector<1024x1xf32>
    %div3A = vector.broadcast %max3A_19 : vector<1024x1xf32> to vector<1024x128xf32>
    %div3A_20 = arith.divf %add3A, %div3A : vector<1024x128xf32>
    %get3A_21 = arith.constant 0 : index
    %get3A_22 = arith.constant 0 : index
    %get3A_23 = vector.load %arg4[%get3A_21, %get3A_22] : memref<128x128xf32, #tpu.memory_space<vmem>>, vector<128x128xf32>
    %dot_general3A = arith.constant dense<0.000000e+00> : vector<1024x128xf32>
    %dot_general3A_24 = tpu.matmul %div3A_20, %get3A_23, %dot_general3A {dimension_numbers = #tpu.dot_dimension_numbers<[1], [0], [0], [1], [0, 0, 1, 1], [], []>, transpose_lhs_hint = false} : vector<1024x128xf32>, vector<128x128xf32>, vector<1024x128xf32> -> vector<1024x128xf32>
    %get3A_25 = arith.constant 0 : index
    %get3A_26 = arith.constant 0 : index
    %get3A_27 = vector.load %arg3[%get3A_25, %get3A_26] : memref<1024x128xf32, #tpu.memory_space<vmem>>, vector<1024x128xf32>
    %get3A_28 = arith.constant 0 : index
    %get3A_29 = arith.constant 0 : index
    %get3A_30 = vector.load %arg6[%get3A_28, %get3A_29] : memref<128x128xf32, #tpu.memory_space<vmem>>, vector<128x128xf32>
    %dot_general3A_31 = arith.constant dense<0.000000e+00> : vector<1024x128xf32>
    %dot_general3A_32 = tpu.matmul %get3A_27, %get3A_30, %dot_general3A_31 {dimension_numbers = #tpu.dot_dimension_numbers<[1], [0], [0], [1], [0, 0, 1, 1], [], []>, transpose_lhs_hint = false} : vector<1024x128xf32>, vector<128x128xf32>, vector<1024x128xf32> -> vector<1024x128xf32>
    %add3A_33 = arith.addf %dot_general3A_24, %dot_general3A_32 : vector<1024x128xf32>
    %get3A_34 = arith.constant 0 : index
    %get3A_35 = arith.constant 0 : index
    %get3A_36 = vector.load %arg5[%get3A_34, %get3A_35] : memref<1x128xf32, #tpu.memory_space<vmem>>, vector<1x128xf32>
    %add3A_37 = vector.broadcast %get3A_36 : vector<1x128xf32> to vector<1024x128xf32>
    %add3A_38 = arith.addf %add3A_33, %add3A_37 : vector<1024x128xf32>
    %max3A_39 = arith.constant 0.000000e+00 : f32
    %max3A_40 = vector.broadcast %max3A_39 : f32 to vector<1024x128xf32>
    %max3A_41 = arith.maximumf %add3A_38, %max3A_40 : vector<1024x128xf32>
    %swap3A = arith.constant 0 : index
    %swap3A_42 = arith.constant 0 : index
    %swap3A_43 = vector.load %arg7[%swap3A, %swap3A_42] : memref<1024x128xf32, #tpu.memory_space<vmem>>, vector<1024x128xf32>
    tpu.vector_store %arg7[%swap3A, %swap3A_42], %max3A_41 {strides = array<i32>} : memref<1024x128xf32, #tpu.memory_space<vmem>>, vector<1024x128xf32>,
    return
  }
  func.func @transform_0(%arg0: i32) -> (i32, i32, i32) {
    %c0_i32 = arith.constant 0 : i32
    %c0_i32_0 = arith.constant 0 : i32
    %c0_i32_1 = arith.constant 0 : i32
    return %c0_i32, %arg0, %c0_i32_0 : i32, i32, i32
  }
  func.func @transform_1(%arg0: i32) -> (i32, i32) {
    %c0_i32 = arith.constant 0 : i32
    %c0_i32_0 = arith.constant 0 : i32
    return %c0_i32, %arg0 : i32, i32
  }
  func.func @transform_2(%arg0: i32) -> (i32, i32) {
    %c0_i32 = arith.constant 0 : i32
    %c0_i32_0 = arith.constant 0 : i32
    return %arg0, %c0_i32 : i32, i32
  }
  func.func @transform_3(%arg0: i32) -> (i32, i32) {
    %c0_i32 = arith.constant 0 : i32
    %c0_i32_0 = arith.constant 0 : i32
    %c0_i32_1 = arith.constant 0 : i32
    return %c0_i32, %c0_i32_0 : i32, i32
  }
  func.func @transform_4(%arg0: i32) -> (i32, i32) {
    %c0_i32 = arith.constant 0 : i32
    %c0_i32_0 = arith.constant 0 : i32
    %c0_i32_1 = arith.constant 0 : i32
    return %c0_i32, %c0_i32_0 : i32, i32
  }
  func.func @transform_5(%arg0: i32) -> (i32, i32) {
    %c0_i32 = arith.constant 0 : i32
    %c0_i32_0 = arith.constant 0 : i32
    %c0_i32_1 = arith.constant 0 : i32
    return %c0_i32, %c0_i32_0 : i32, i32
  }
  func.func @transform_6(%arg0: i32) -> (i32, i32) {
    %c0_i32 = arith.constant 0 : i32
    %c0_i32_0 = arith.constant 0 : i32
    return %arg0, %c0_i32 : i32, i32
  }
}

module attributes {stable_mosaic.version = 14 : i64} {
  func.func @_dense_body(%arg0: i32, %arg1: memref<2x1024x128xf32, #tpu.memory_space<vmem>>, %arg2: memref<2x1024xf32, #tpu.memory_space<vmem>>, %arg3: memref<1024x128xf32, #tpu.memory_space<vmem>>, %arg4: memref<128x128xf32, #tpu.memory_space<vmem>>, %arg5: memref<1x128xf32, #tpu.memory_space<vmem>>, %arg6: memref<128x128xf32, #tpu.memory_space<vmem>>, %arg7: memref<1024x128xf32, #tpu.memory_space<vmem>>) attributes {dimension_semantics = [#tpu.dimension_semantics<arbitrary>], iteration_bounds = array<i64: 10>, scalar_prefetch = 0 : i64, scratch_operands = 0 : i64, tpu.core_type = #tpu.core_type<tc>, window_params = [{transform_indices = @transform_0, window_bounds = array<i64: 2, 1024, 128>}, {transform_indices = @transform_1, window_bounds = array<i64: 2, 1024>}, {transform_indices = @transform_2, window_bounds = array<i64: 1024, 128>}, {pipeline_mode = #tpu.pipeline_mode<synchronous>, transform_indices = @transform_3, window_bounds = array<i64: 128, 128>}, {pipeline_mode = #tpu.pipeline_mode<synchronous>, transform_indices = @transform_4, window_bounds = array<i64: 1, 128>}, {pipeline_mode = #tpu.pipeline_mode<synchronous>, transform_indices = @transform_5, window_bounds = array<i64: 128, 128>}, {transform_indices = @transform_6, window_bounds = array<i64: 1024, 128>}]} {
    %get3A = arith.constant 0 : index
    %get3A_0 = arith.constant 0 : index
    %get3A_1 = arith.constant 0 : index
    %get3A_2 = vector.load %arg1[%get3A, %get3A_0, %get3A_1] : memref<2x1024x128xf32, #tpu.memory_space<vmem>>, vector<1x1024x128xf32>
    %get3A_3 = vector.shape_cast %get3A_2 : vector<1x1024x128xf32> to vector<1024x128xf32>
    %get3A_4 = arith.constant 1 : index
    %get3A_5 = arith.constant 0 : index
    %get3A_6 = arith.constant 0 : index
    %get3A_7 = vector.load %arg1[%get3A_4, %get3A_5, %get3A_6] : memref<2x1024x128xf32, #tpu.memory_space<vmem>>, vector<1x1024x128xf32>
    %get3A_8 = vector.shape_cast %get3A_7 : vector<1x1024x128xf32> to vector<1024x128xf32>
    %add3A = arith.addf %get3A_3, %get3A_8 : vector<1024x128xf32>
    %get3A_9 = arith.constant 0 : index
    %get3A_10 = arith.constant 0 : index
    %get3A_11 = vector.load %arg2[%get3A_9, %get3A_10] : memref<2x1024xf32, #tpu.memory_space<vmem>>, vector<1x1024xf32>
    %get3A_12 = vector.shape_cast %get3A_11 : vector<1x1024xf32> to vector<1024xf32>
    %get3A_13 = arith.constant 1 : index
    %get3A_14 = arith.constant 0 : index
    %get3A_15 = vector.load %arg2[%get3A_13, %get3A_14] : memref<2x1024xf32, #tpu.memory_space<vmem>>, vector<1x1024xf32>
    %get3A_16 = vector.shape_cast %get3A_15 : vector<1x1024xf32> to vector<1024xf32>
    %add3A_17 = arith.addf %get3A_12, %get3A_16 : vector<1024xf32>
    %broadcast_in_dim3A = vector.shape_cast %add3A_17 : vector<1024xf32> to vector<1024x1xf32>
    %max3A = arith.constant 1.000000e+00 : f32
    %max3A_18 = vector.broadcast %max3A : f32 to vector<1024x1xf32>
    %max3A_19 = arith.maximumf %broadcast_in_dim3A, %max3A_18 : vector<1024x1xf32>
    %div3A = vector.broadcast %max3A_19 : vector<1024x1xf32> to vector<1024x128xf32>
    %div3A_20 = arith.divf %add3A, %div3A : vector<1024x128xf32>
    %get3A_21 = arith.constant 0 : index
    %get3A_22 = arith.constant 0 : index
    %get3A_23 = vector.load %arg4[%get3A_21, %get3A_22] : memref<128x128xf32, #tpu.memory_space<vmem>>, vector<128x128xf32>
    %dot_general3A = arith.constant dense<0.000000e+00> : vector<1024x128xf32>
    %dot_general3A_24 = tpu.matmul %div3A_20, %get3A_23, %dot_general3A {dimension_numbers = #tpu.dot_dimension_numbers<[1], [0], [0], [1], [0, 0, 1, 1], [], []>, transpose_lhs_hint = false} : vector<1024x128xf32>, vector<128x128xf32>, vector<1024x128xf32> -> vector<1024x128xf32>
    %get3A_25 = arith.constant 0 : index
    %get3A_26 = arith.constant 0 : index
    %get3A_27 = vector.load %arg3[%get3A_25, %get3A_26] : memref<1024x128xf32, #tpu.memory_space<vmem>>, vector<1024x128xf32>
    %get3A_28 = arith.constant 0 : index
    %get3A_29 = arith.constant 0 : index
    %get3A_30 = vector.load %arg6[%get3A_28, %get3A_29] : memref<128x128xf32, #tpu.memory_space<vmem>>, vector<128x128xf32>
    %dot_general3A_31 = arith.constant dense<0.000000e+00> : vector<1024x128xf32>
    %dot_general3A_32 = tpu.matmul %get3A_27, %get3A_30, %dot_general3A_31 {dimension_numbers = #tpu.dot_dimension_numbers<[1], [0], [0], [1], [0, 0, 1, 1], [], []>, transpose_lhs_hint = false} : vector<1024x128xf32>, vector<128x128xf32>, vector<1024x128xf32> -> vector<1024x128xf32>
    %add3A_33 = arith.addf %dot_general3A_24, %dot_general3A_32 : vector<1024x128xf32>
    %get3A_34 = arith.constant 0 : index
    %get3A_35 = arith.constant 0 : index
    %get3A_36 = vector.load %arg5[%get3A_34, %get3A_35] : memref<1x128xf32, #tpu.memory_space<vmem>>, vector<1x128xf32>
    %add3A_37 = vector.broadcast %get3A_36 : vector<1x128xf32> to vector<1024x128xf32>
    %add3A_38 = arith.addf %add3A_33, %add3A_37 : vector<1024x128xf32>
    %swap3A = arith.constant 0 : index
    %swap3A_39 = arith.constant 0 : index
    %swap3A_40 = vector.load %arg7[%swap3A, %swap3A_39] : memref<1024x128xf32, #tpu.memory_space<vmem>>, vector<1024x128xf32>
    tpu.vector_store %arg7[%swap3A, %swap3A_39], %add3A_38 {strides = array<i32>} : memref<1024x128xf32, #tpu.memory_space<vmem>>, vector<1024x128xf32>,
    return
  }
  func.func @transform_0(%arg0: i32) -> (i32, i32, i32) {
    %c0_i32 = arith.constant 0 : i32
    %c0_i32_0 = arith.constant 0 : i32
    %c0_i32_1 = arith.constant 0 : i32
    return %c0_i32, %arg0, %c0_i32_0 : i32, i32, i32
  }
  func.func @transform_1(%arg0: i32) -> (i32, i32) {
    %c0_i32 = arith.constant 0 : i32
    %c0_i32_0 = arith.constant 0 : i32
    return %c0_i32, %arg0 : i32, i32
  }
  func.func @transform_2(%arg0: i32) -> (i32, i32) {
    %c0_i32 = arith.constant 0 : i32
    %c0_i32_0 = arith.constant 0 : i32
    return %arg0, %c0_i32 : i32, i32
  }
  func.func @transform_3(%arg0: i32) -> (i32, i32) {
    %c0_i32 = arith.constant 0 : i32
    %c0_i32_0 = arith.constant 0 : i32
    %c0_i32_1 = arith.constant 0 : i32
    return %c0_i32, %c0_i32_0 : i32, i32
  }
  func.func @transform_4(%arg0: i32) -> (i32, i32) {
    %c0_i32 = arith.constant 0 : i32
    %c0_i32_0 = arith.constant 0 : i32
    %c0_i32_1 = arith.constant 0 : i32
    return %c0_i32, %c0_i32_0 : i32, i32
  }
  func.func @transform_5(%arg0: i32) -> (i32, i32) {
    %c0_i32 = arith.constant 0 : i32
    %c0_i32_0 = arith.constant 0 : i32
    %c0_i32_1 = arith.constant 0 : i32
    return %c0_i32, %c0_i32_0 : i32, i32
  }
  func.func @transform_6(%arg0: i32) -> (i32, i32) {
    %c0_i32 = arith.constant 0 : i32
    %c0_i32_0 = arith.constant 0 : i32
    return %arg0, %c0_i32 : i32, i32
  }
}

</mosaic_0001>

<sc_bundles>
// kernel: sage_sc_agg.3.cloned.1.call-start
scs
__scs_entry_jumppad:
0x0: {  	(pc) =	sbr.rel $0x88, $3  }
0x1: {  	(tag) =	ssettag $0x0;
	lr =	simm.s32 $0x1  }
0x2: {  	[smem:$0x3F99] =	sst lr;
	_ =	strace $0xD0000000  }
0x3: {  	_ = 	snop  }
0x4: {  	_ = 	snop  }
0x5: {  	_ = 	snop  }
0x6: {  	_ = 	snop  }
0x7: {  	_ = 	snop  }
__scs_overlays_trampoline_lowered:
0x8: {  	[smem:$0x3FA8] =	sst s0  }
0x9: {  	[smem:$0x3FA9] =	sst s1  }
0xa: {  	[smem:$0x3FAA] =	sst s2  }
0xb: {  	[smem:$0x3FAB] =	sst s3  }
0xc: {  	[smem:$0x3FAC] =	sst s4  }
0xd: {  	[smem:$0x3FAD] =	sst s5  }
0xe: {  	[smem:$0x3FAE] =	sst s6  }
0xf: {  	[smem:$0x3FAF] =	sst s7  }
0x10: {  	[smem:$0x3FB0] =	sst s8  }
0x11: {  	[smem:$0x3FB1] =	sst s9;
	s0 =	simm.s32 @!p0 $0x0  }
0x12: {  	s1 =	sld [smem:$0x3F97];
	s0 =	simm.s32 @p0 $0x1  }
0x13: {  	[smem:$0x3FB2] =	sst s0;
	s0 =	simm.s32 @!p1 $0x0  }
0x14: {  	s2 =	sld [smem:$0x3F96];
	s0 =	simm.s32 @p1 $0x1  }
0x15: {  	[smem:$0x3FB3] =	sst s0;
	s0 =	simm.s32 @!p2 $0x0  }
0x16: {  	s3 =	sld [smem:$0x3FDB];
	s0 =	simm.s32 @p2 $0x1  }
0x17: {  	s4 =	simm.s32 $0x1BF5;
	[smem:$0x3FB5] =	sst s0  }
0x18: {  	s0 =	sld [smem:$0x3F98];
	_ =	swait.ge [sflag:s4], $0x0  }
0x19: {  	s7 =	sld [smem:$0x3F99]  }
0x1a: {  	s8 =	sadd.s32 $0xFFFFE003, lr  }
0x1b: {  	s9 =	sadd.s32 $0xFFFFFEF7, lr;
	s5 =	simm.s32 $0xFFFFFFFF;
	p2 =	slt.u32 s8, $0xFFFFF086  }
0x1c: {  	p1 =	slt.u32 s9, $0xF7A;
	s5 =	simm.s32 @!p2 $0x0  }
0x1d: {  	s5 =	simm.s32 @p1 $0x1;
	p0 =	seq.s32 s7, s2  }
0x1e: {  	s7 =	smul.u32 @!p0 $0xF7A, s2;
	p2 =	seq.s32 @!p0 s5, $0x0  }
0x1f: {  	s9 =	smul.u32 $0xF7A, s1;
	s8 =	simm.s32 @!p0 $0x1BF5;
	p2 =	por !p2, p0  }
0x20: {  	[sflag:s8] =	ssyncset.s32 @!p0 $0xFFFFF086;
	s6 =	sadd.s32 @!p0 s3, s7;
	s7 =	simm.s32 @!p0 $0x108  }
0x21: {  	s3 =	sadd.s32 s3, s9;
	s6 =	sadd.s32 @!p0 $0x88, s6;
	s7 =	simm.s32 @p2 $0x1082  }
0x22: {  	[simem:s7], [sflag:s8] =	dma.local @!p0 [hbm:s6], $0xF7A  }
0x23: {  	s9 =	sor.u32 $0xD0000000, s2;
	s6 =	simm.s32 $0x108;
	_ =	swait.ge @!p0 [sflag:s8], $0x0  }
0x24: {  	s3 =	sadd.s32 $0x88, s3;
	s6 =	simm.s32 @!p1 $0x1082;
	[sflag:s4] =	ssyncset.s32 $0xFFFFF086  }
0x25: {  	[simem:s6], [sflag:s4] =	dma.local [hbm:s3], $0xF7A  }
0x26: {  	[smem:$0x3F99] =	sst s1;
	(tag) =	ssettag s2;
	_ =	strace s9  }
0x27: {  	s1 =	sld [smem:$0x3FA9]  }
0x28: {  	s2 =	sld [smem:$0x3FAA]  }
0x29: {  	s4 =	sld [smem:$0x3FAC]  }
0x2a: {  	p0 =	seq.s32 s5, $0x0;
	s5 =	sld [smem:$0x3FAD]  }
0x2b: {  	s6 =	sld [smem:$0x3FAE]  }
0x2c: {  	s7 =	sld [smem:$0x3FAF]  }
0x2d: {  	s3 =	simm.s32 $0x108;
	s8 =	sld [smem:$0x3FB0]  }
0x2e: {  	s3 =	simm.s32 @!p0 $0x1082;
	s9 =	sld [smem:$0x3FB1]  }
0x2f: {  	lr =	sadd.s32 s0, s3;
	s0 =	sld [smem:$0x3FA8]  }
0x30: {  	s3 =	sld [smem:$0x3FAB]  }
0x31: {  	[smem:$0x3FB4] =	sst s10  }
0x32: {  	s10 =	sld [smem:$0x3FB2];
	_ =	sdelay $0x3  }
0x33: {  	p0 =	seq.s32 s10, $0x1;
	s10 =	sld [smem:$0x3FB4];
	_ =	sdelay $0x3  }
0x34: {  	[smem:$0x3FB4] =	sst s10  }
0x35: {  	s10 =	sld [smem:$0x3FB3];
	_ =	sdelay $0x3  }
0x36: {  	p1 =	seq.s32 s10, $0x1;
	s10 =	sld [smem:$0x3FB4];
	_ =	sdelay $0x3  }
0x37: {  	[smem:$0x3FB4] =	sst s10  }
0x38: {  	s10 =	sld [smem:$0x3FB5]  }
0x39: {  	_ = 	snop;
	(pc) =	sbr.ind lr, $3  }
0x3a: {  	_ = 	snop  }
0x3b: {  	_ = 	snop  }
0x3c: {  	p2 =	seq.s32 s10, $0x1;
	s10 =	sld [smem:$0x3FB4]  }
0x3d: {  	_ =	shalt  }
0x3e: {  	_ =	shalt  }
0x3f: {  	_ =	shalt  }
0x40: {  	_ =	shalt  }
0x41: {  	_ =	shalt  }
0x42: {  	_ =	shalt  }
0x43: {  	_ =	shalt  }
0x44: {  	_ =	shalt  }
0x45: {  	_ =	shalt  }
0x46: {  	_ =	shalt  }
0x47: {  	_ =	shalt  }
0x48: {  	_ =	shalt  }
0x49: {  	_ =	shalt  }
0x4a: {  	_ =	shalt  }
0x4b: {  	_ =	shalt  }
0x4c: {  	_ =	shalt  }
0x4d: {  	_ =	shalt  }
0x4e: {  	_ =	shalt  }
0x4f: {  	_ =	shalt  }
0x50: {  	_ =	shalt  }
0x51: {  	_ =	shalt  }
0x52: {  	_ =	shalt  }
0x53: {  	_ =	shalt  }
0x54: {  	_ =	shalt  }
0x55: {  	_ =	shalt  }
0x56: {  	_ =	shalt  }
0x57: {  	_ =	shalt  }
0x58: {  	_ =	shalt  }
0x59: {  	_ =	shalt  }
0x5a: {  	_ =	shalt  }
0x5b: {  	_ =	shalt  }
0x5c: {  	_ =	shalt  }
0x5d: {  	_ =	shalt  }
0x5e: {  	_ =	shalt  }
0x5f: {  	_ =	shalt  }
0x60: {  	_ =	shalt  }
0x61: {  	_ =	shalt  }
0x62: {  	_ =	shalt  }
0x63: {  	_ =	shalt  }
0x64: {  	_ =	shalt  }
0x65: {  	_ =	shalt  }
0x66: {  	_ =	shalt  }
0x67: {  	_ =	shalt  }
0x68: {  	_ =	shalt  }
0x69: {  	_ =	shalt  }
0x6a: {  	_ =	shalt  }
0x6b: {  	_ =	shalt  }
0x6c: {  	_ =	shalt  }
0x6d: {  	_ =	shalt  }
0x6e: {  	_ =	shalt  }
0x6f: {  	_ =	shalt  }
0x70: {  	_ =	shalt  }
0x71: {  	_ =	shalt  }
0x72: {  	_ =	shalt  }
0x73: {  	_ =	shalt  }
0x74: {  	_ =	shalt  }
0x75: {  	_ =	shalt  }
0x76: {  	_ =	shalt  }
0x77: {  	_ =	shalt  }
0x78: {  	_ =	shalt  }
0x79: {  	_ =	shalt  }
0x7a: {  	_ =	shalt  }
0x7b: {  	_ =	shalt  }
0x7c: {  	_ =	shalt  }
0x7d: {  	_ =	shalt  }
0x7e: {  	_ =	shalt  }
0x7f: {  	_ =	shalt  }
0x80: {  	_ =	shalt  }
0x81: {  	_ =	shalt  }
0x82: {  	_ =	shalt  }
0x83: {  	_ =	shalt  }
0x84: {  	_ =	shalt  }
0x85: {  	_ =	shalt  }
0x86: {  	_ =	shalt  }
0x87: {  	_ =	shalt  }
.Lfunc_end0:
.L_simem_size_0:
called_computation.1_lowered:
.L_overlay_start_0:
0x88: {  	s2 =	sld [smem:$0x3FD9]  }
0x89: {  	s3 =	sld [smem:$0x3FFE];
	_ =	sdelay $0x1  }
0x8a: {  	s1 =	srdreg.scid  }
0x8b: {  	s0 =	sand.u32 $0x1, s1  }
0x8c: {  	s17 =	sshll.u32 s0, $0xA;
	s2 =	sadd.s32 s3, s2  }
0x8d: {  	s2 =	sadd.s32 s2, s17  }
0x8e: {  	[smem:$0x3FC0] =	sst s2  }
0x8f: {  	_ = 	snop  }
0x90: {  	s2 =	sld [smem:$0x3FD0];
	(tm) =	ssettm $0x1  }
0x91: {  	s18 =	sld [smem:$0x3FFB];
	_ =	sdelay $0x3  }
0x92: {  	_ =	strace s18  }
0x93: {  	s3 =	sld [smem:$0x3FFC];
	_ =	sdelay $0x3  }
0x94: {  	_ =	strace s3  }
0x95: {  	s3 =	sld [smem:$0x3FFD];
	_ =	sdelay $0x3  }
0x96: {  	_ =	strace s3  }
0x97: {  	_ =	strace $0x8FFFFFFF  }
0x98: {  	s19 =	sld [smem:$0x3FDB];
	_ =	sdelay $0x1  }
0x99: {  	s4 =	simm.s32 $_scs_section_size  }
0x9a: {  	s5 =	simm.s32 $_size__tile_overlayer_lowered;
	s6 =	simm.s32 $_tile_overlayer_lowered  }
0x9b: {  	s22 =	simm.s32 $0x1BFF;
	s21 =	sshll.u32 s6, $0x1;
	s3 =	sadd.s32 s4, s19  }
0x9c: {  	s7 =	simm.s32 $0x0;
	s20 =	sshll.u32 s5, $0x1;
	s5 =	sadd.s32 s21, s3  }
0x9d: {  	[timem:s7], [sflag:s22] =	dma.local [hbm:s5], s20  }
0x9e: {  	_ =	swait.ge [sflag:s22], s20  }
0x9f: {  	s4 =	ssub.s32 $0x0, s20;
	[sflag:s22] =	ssyncset.done $0x0  }
0xa0: {  	[sflag:s22] =	ssyncadd.s32 s4;
	_ =	sdelay $0x1  }
0xa1: {  	s23 =	simm.s32 $0x1B8B  }
0xa2: {  	_ =	swait.ge [sflag:s23], $0x1  }
0xa3: {  	[sflag:s23] =	ssyncset.done $0x0  }
0xa4: {  	s25 =	simm.s32 $0x1B8E;
	s24 =	sld [smem:$0x3FFE];
	[sflag:s23] =	ssyncadd.s32 $0xFFFFFFFF  }
0xa5: {  	s26 =	simm.s32 $execute0_lowered;
	[smem:$0x3FD2] =	sst s25  }
0xa6: {  	s5 =	sshll.u32 s26, $0x1;
	_ =	strace $0x80000049;
	[dreg:$0x1] =	wrdreg $0xFFFFFFFF  }
0xa7: {  	s28 =	simm.s32 $_size_execute0_lowered;
	s3 =	sadd.s32 s3, s5;
	[dreg:$0x0] =	wrdreg $0x0  }
0xa8: {  	s5 =	sshll.u32 s28, $0x1;
	[dreg:$0x2] =	wrdreg s3  }
0xa9: {  	[dreg:$0x3] =	wrdreg s5  }
0xaa: {  	[dreg:$0x4] =	wrdreg $0xC0  }
0xab: {  	_ =	task [dreg:s7], $0x5FFFF  }
0xac: {  	[dreg:$0x1] =	wrdreg $0xFFFFFFFF  }
0xad: {  	[dreg:$0x0] =	wrdreg $0x60  }
0xae: {  	[dreg:$0x2] =	wrdreg s24  }
0xaf: {  	[dreg:$0x3] =	wrdreg s2  }
0xb0: {  	[dreg:$0x4] =	wrdreg $0xA9000  }
0xb1: {  	[dreg:$0x5] =	wrdreg $0x9  }
0xb2: {  	_ =	task.clear_ibuf [dreg:s7], $0x6FFFF;
	_ =	strace $0x90000049  }
0xb3: {  	s29 =	simm.s32 $0x9;
	_ =	strace $0x8000004B  }
0xb4: {  	_ =	swait.ge [sflag:s29], $0x1  }
0xb5: {  	[sflag:s29] =	ssyncadd.s32 $0xFFFFFFFF  }
0xb6: {  	_ =	strace $0x9000004B  }
0xb7: {  	_ =	sfence  }
0xb8: {  	s30 =	sld [smem:$0x0];
	_ =	sdelay $0x2  }
0xb9: {  	s31 =	sshll.u32 s1, $0xD;
	s1 =	sshrl.u32 s1, $0x2  }
0xba: {  	s3 =	sand.u32 $0x4000, s31;
	s1 =	sadd.s32 s1, s30  }
0xbb: {  	s0 =	sor.u32 s3, s0;
	s1 =	sshll.u32 s1, $0x11  }
0xbc: {  	s0 =	sor.u32 s1, s0  }
0xbd: {  	s0 =	sadd.s32 $0x8F2B, s0  }
0xbe: {  	[sflag:s0] =	ssyncadd.remote.s32 $0x1  }
0xbf: {  	_ =	sfence.sel $0xFFFF  }
0xc0: {  	[dreg:$0x0] =	wrdreg $0xFFFFFFFF;
	(pc) =	sbr.abs _section_cstart, $3  }
0xc1: {  	[dreg:$0x1] =	wrdreg $0xFFFFFFFF  }
0xc2: {  	_ =	task.clear_ibuf [dreg:s7], $0x2FFFF;
	_ =	strace $0x9FFFFFFF  }
0xc3: {  	(tm) =	ssettm $0x7FFFFFFF  }
tec
execute0_lowered:
.L_overlay_start_1:
0x0: {  	(tag) =	ssettag $0x1  }
0x1: {  	s0 =	rddreg [dreg:$0x0]  }
0x2: {  	s1 =	srdreg.scid;
	s11 =	rddreg [dreg:$0x1]  }
0x3: {  	s9 =	stileid.u32;
	s2 =	rddreg [dreg:$0x2];
	s3 =	simm.s32 $0x0  }
0x4: {  	s28 =	simm.s32 $0x4000;
	s29 =	simm.s32 $0x2;
	s4 =	smul.u32 $0x5000, s9  }
0x5: {  	s30 =	simm.s32 $0x5;
	s31 =	simm.s32 $0x6;
	s6 =	smul.u32 $0x50000, s9  }
0x6: {  	s1 =	sand.u32 $0x1, s1;
	[smem:$0x7FF] =	sst s3;
	s10 =	smul.u32 $0x14000, s9  }
0x7: {  	s8 =	sshll.u32 s9, $0x1;
	s5 =	smul.u32 $0x2800, s1;
	_ =	strace $0x8000004A  }
0x8: {  	s23 =	ssub.s32 $0x2, s1;
	s24 =	sor.u32 s1, s8;
	s1 =	smul.u32 $0x140000, s1  }
0x9: {  	s7 =	sshrl.u32 s23, $0x1;
	s13 =	smul.u32 $0x2800, s24;
	s25 =	sshrl.u32 s6, $0x2  }
0xa: {  	s14 =	sadd.s32 $0x4000, s10;
	s15 =	sadd.s32 $0x8000, s10;
	s16 =	sadd.s32 $0xC000, s10  }
0xb: {  	s19 =	sadd.s32 $0x10000, s10;
	s12 =	sadd.s32 s5, s4;
	s4 =	sadd.s32 $0x2800, s0  }
0xc: {  	s17 =	ssub.s32 s23, s7;
	s6 =	sadd.s32 s14, s2;
	s7 =	sadd.s32 s15, s2  }
0xd: {  	s8 =	sadd.s32 s16, s2;
	s9 =	sadd.s32 s19, s2;
	s20 =	sadd.s32 s10, s1  }
0xe: {  	s14 =	sadd.s32 s1, s14;
	s23 =	sadd.s32 s1, s15;
	s24 =	sadd.s32 s1, s16  }
0xf: {  	s1 =	sadd.s32 s1, s19;
	s5 =	sshrl.u32 s12, $0x3;
	s13 =	sshrl.u32 s13, $0x3  }
0x10: {  	s26 =	sshrl.u32 s20, $0x3;
	s14 =	sshrl.u32 s14, $0x3;
	s15 =	sshrl.u32 s24, $0x3  }
0x11: {  	s1 =	sshrl.u32 s1, $0x3;
	s17 =	smax.u32 s17, $0x1;
	s24 =	simm.s32 $0x80  }
0x12: {  	s18 =	sadd.s32 s5, s0;
	s0 =	sadd.s32 $0x34800, s0;
	s10 =	sadd.s32 s11, s13  }
0x13: {  	s5 =	sadd.s32 s25, s2;
	s25 =	sor.u32 $0x180, s12;
	s21 =	sadd.s32 $0x10, s10  }
0x14: {  	s13 =	sadd.s32 s0, s26;
	s22 =	sadd.s32 s0, s14;
	s14 =	sshrl.u32 s23, $0x3  }
0x15: {  	s15 =	sadd.s32 s0, s15;
	s16 =	sadd.s32 s0, s1;
	[dreg:$0x4] =	wrdreg s21  }
0x16: {  	s26 =	sor.u32 $0x100, s12;
	s18 =	sadd.s32 $0x2A800, s18;
	[dreg:$0x5] =	wrdreg s13  }
0x17: {  	s23 =	simm.s32 $0x8000;
	[dreg:$0x6] =	wrdreg s22;
	s14 =	sadd.s32 s0, s14  }
0x18: {  	s0 =	sshrl.u32 s25, $0x3;
	s1 =	sshrl.u32 s26, $0x3;
	s21 =	simm.s32 $0x1  }
0x19: {  	s22 =	simm.s32 $0x3;
	s25 =	simm.s32 $0x8080;
	s26 =	simm.s32 $0x4  }
0x1a: {  	v0 =	vimm.f32 $0.0e+00;
	s19 =	sadd.s32 s0, s11;
	s20 =	sadd.s32 s1, s11;
	s1 =	simm.s32 $0x0  }
.LBB2_1:
0x1b: {  	s0 =	sand.u32 $0xFE00, s3  }
0x1c: {  	s11 =	sand.u32 $0x70, s3;
	s12 =	sshrl.u32 s0, $0x2  }
0x1d: {  	s0 =	simm.s32 $0x40;
	s12 =	sor.u32 s11, s12;
	s11 =	simm.s32 $0x0  }
.LBB2_2:
0x1e: {  	p0 =	sne.s32 s0, $0xFFC0  }
0x1f: {  	[tilespmem:s12+$0x0] =	vst v0;
	s11 =	sadd.s32 $0x10, s11;
	s12 =	smov.u32 s0;
	s0 =	sadd.s32 $0x40, s0  }
.Ltmp0:
0x20: {  	(pc) =	sbr.rel @p0 .LBB2_2-.Ltmp0, $4  }
0x21: {  	_ = 	snop  }
0x22: {  	s12 =	sand.u32 $0xFE00, s12  }
0x23: {  	s13 =	sand.u32 $0x70, s11;
	s12 =	sshrl.u32 s12, $0x2  }
0x24: {  	s12 =	sor.u32 s13, s12  }
0x25: {  	[tilespmem:s12+$0x0] =	vst v0;
	s0 =	simm.s32 $0x0  }
0x26: {  	[spmem:s5] =	stream.linear.scatter [tilespmem:s0], [sflag:$0x1], $0x4000, $0x38;
	[tilespmem:$0x1E900] =	vst v63  }
0x27: {  	_ = 	snop  }
0x28: {  	[spmem:s6] =	stream.linear.scatter [tilespmem:s0], [sflag:$0x1], $0x4000, $0x38;
	[tilespmem:$0x1E900] =	vst v63  }
0x29: {  	_ = 	snop  }
0x2a: {  	[spmem:s7] =	stream.linear.scatter [tilespmem:s0], [sflag:$0x1], $0x4000, $0x38;
	[tilespmem:$0x1E900] =	vst v63  }
0x2b: {  	_ = 	snop  }
0x2c: {  	[spmem:s8] =	stream.linear.scatter [tilespmem:s0], [sflag:$0x1], $0x4000, $0x38;
	[tilespmem:$0x1E900] =	vst v63  }
0x2d: {  	_ = 	snop  }
0x2e: {  	[spmem:s9] =	stream.linear.scatter [tilespmem:s0], [sflag:$0x1], $0x4000, $0x38;
	[tilespmem:$0x1E900] =	vst v63  }
0x2f: {  	_ =	swait.ge [sflag:s21], $0x4000  }
0x30: {  	[sflag:s21] =	ssyncset.done $0x0  }
0x31: {  	[sflag:s21] =	ssyncadd.s32 $0xFFFFC000  }
0x32: {  	_ =	swait.ge [sflag:s21], $0x4000  }
0x33: {  	[sflag:s21] =	ssyncset.done $0x0  }
0x34: {  	[sflag:s21] =	ssyncadd.s32 $0xFFFFC000  }
0x35: {  	_ =	swait.ge [sflag:s21], $0x4000  }
0x36: {  	[sflag:s21] =	ssyncset.done $0x0  }
0x37: {  	[sflag:s21] =	ssyncadd.s32 $0xFFFFC000  }
0x38: {  	_ =	swait.ge [sflag:s21], $0x4000  }
0x39: {  	[sflag:s21] =	ssyncset.done $0x0  }
0x3a: {  	[sflag:s21] =	ssyncadd.s32 $0xFFFFC000  }
0x3b: {  	_ =	swait.ge [sflag:s21], $0x4000  }
0x3c: {  	[sflag:s21] =	ssyncset.done $0x0  }
0x3d: {  	s11 =	simm.s32 $0x8100;
	[sflag:s21] =	ssyncadd.s32 $0xFFFFC000  }
.LBB2_4:
0x3e: {  	p0 =	sne.s32 s0, $0x4F0  }
.Ltmp1:
0x3f: {  	_ = 	snop;
	(pc) =	sbr.rel @p0 .LBB2_4-.Ltmp1, $4  }
0x40: {  	_ = 	snop  }
0x41: {  	s12 =	sadd.s32 s0, s18  }
0x42: {  	[tilespmem:s11], [sflag:$0x3] =	stream.linear.gather [hbm4b:s12+s3], $0x80, $0x38;
	[tilespmem:$0x1E900] =	vst v63  }
0x43: {  	s0 =	sadd.s32 $0x10, s0;
	s11 =	sadd.s32 $0x80, s11  }
0x44: {  	_ =	swait.ge [sflag:s22], $0x80  }
0x45: {  	s0 =	simm.s32 $0x4F;
	[sflag:s22] =	ssyncset.done $0x0  }
.LBB2_6:
0x46: {  	p0 =	sne.s32 s0, $0x1;
	s0 =	sadd.s32 $0xFFFFFFFF, s0;
	[sflag:s22] =	ssyncadd.s32 $0xFFFFFF80  }
.Ltmp2:
0x47: {  	(pc) =	sbr.rel @p0 .LBB2_6-.Ltmp2, $3  }
0x48: {  	_ =	sdelay $0x1  }
0x49: {  	_ =	swait.ge [sflag:s22], $0x80  }
0x4a: {  	[sflag:s22] =	ssyncset.done $0x0  }
0x4b: {  	[sflag:s22] =	ssyncadd.s32 $0xFFFFFF80  }
0x4c: {  	s0 =	simm.s32 $0x0;
	[bflag:$0x0] =	sbarrier.arrive $0xFFFF  }
0x4d: {  	[tilespmem:s23], [sflag:$0x3] =	stream.linear.gather [hbm4b:s10+s0], $0x80, $0x38;
	[tilespmem:$0x1E900] =	vst v63  }
0x4e: {  	_ =	swait.ge [sflag:s22], $0x80  }
0x4f: {  	[sflag:s22] =	ssyncset.done $0x0  }
0x50: {  	[sflag:s22] =	ssyncadd.s32 $0xFFFFFF80  }
0x51: {  	[tilespmem:s0], [sflag:$0x1] =	stream.indirect.gather [hbm4b:s4+s24], $0x80, s23, s24, $0xb8;
	[tilespmem:$0x1E900] =	vst v63  }
0x52: {  	s11 =	rddreg [dreg:$0x4]  }
0x53: {  	[tilespmem:s25], [sflag:$0x4] =	stream.linear.gather [hbm4b:s11+s0], $0x80, $0x38;
	[tilespmem:$0x1E900] =	vst v63  }
0x54: {  	_ =	swait.ge [sflag:s26], $0x80  }
0x55: {  	[sflag:s26] =	ssyncset.done $0x0  }
0x56: {  	[sflag:s26] =	ssyncadd.s32 $0xFFFFFF80  }
0x57: {  	[tilespmem:s28], [sflag:$0x2] =	stream.indirect.gather [hbm4b:s4+s24], $0x80, s25, s24, $0xb8;
	[tilespmem:$0x1E900] =	vst v63  }
0x58: {  	_ =	swait.ge [sflag:s21], $0x4000  }
0x59: {  	[sflag:s21] =	ssyncset.done $0x0  }
0x5a: {  	s13 =	simm.s32 $0x8100;
	[sflag:s21] =	ssyncadd.s32 $0xFFFFC000  }
0x5b: {  	[spmem:s2] =	stream.indirect.scatter.add.f32 [tilespmem:s3], [sflag:$0x5], $0x80, s13, s24, $0xb8;
	[tilespmem:$0x1E900] =	vst v63  }
0x5c: {  	_ =	swait.ge [sflag:s29], $0x4000  }
0x5d: {  	[sflag:s29] =	ssyncset.done $0x0  }
0x5e: {  	s11 =	simm.s32 $0x8180;
	[sflag:s29] =	ssyncadd.s32 $0xFFFFC000  }
0x5f: {  	[spmem:s2] =	stream.indirect.scatter.add.f32 [tilespmem:s28], [sflag:$0x6], $0x80, s11, s24, $0xb8;
	[tilespmem:$0x1E900] =	vst v63  }
0x60: {  	s12 =	sadd.s32 $0x0, s20  }
0x61: {  	[tilespmem:s23], [sflag:$0x3] =	stream.linear.gather [hbm4b:s12+s3], $0x80, $0x38;
	[tilespmem:$0x1E900] =	vst v63  }
0x62: {  	s13 =	sadd.s32 $0x0, s19  }
0x63: {  	[tilespmem:s25], [sflag:$0x4] =	stream.linear.gather [hbm4b:s13+s3], $0x80, $0x38;
	[tilespmem:$0x1E900] =	vst v63  }
0x64: {  	_ =	swait.ge [sflag:s30], $0x4000  }
0x65: {  	[sflag:s30] =	ssyncset.done $0x0  }
0x66: {  	[sflag:s30] =	ssyncadd.s32 $0xFFFFC000  }
0x67: {  	_ =	swait.ge [sflag:s22], $0x80  }
0x68: {  	[sflag:s22] =	ssyncset.done $0x0  }
0x69: {  	[sflag:s22] =	ssyncadd.s32 $0xFFFFFF80  }
0x6a: {  	[tilespmem:s3], [sflag:$0x1] =	stream.indirect.gather [hbm4b:s4+s24], $0x80, s23, s24, $0xb8;
	[tilespmem:$0x1E900] =	vst v63  }
0x6b: {  	_ =	swait.ge [sflag:s31], $0x4000  }
0x6c: {  	[sflag:s31] =	ssyncset.done $0x0  }
0x6d: {  	[sflag:s31] =	ssyncadd.s32 $0xFFFFC000  }
0x6e: {  	_ =	swait.ge [sflag:s26], $0x80  }
0x6f: {  	[sflag:s26] =	ssyncset.done $0x0  }
0x70: {  	s0 =	simm.s32 $0x20;
	s11 =	simm.s32 $0x8280;
	[sflag:s26] =	ssyncadd.s32 $0xFFFFFF80  }
.LBB2_8:
0x71: {  	[tilespmem:s28], [sflag:$0x2] =	stream.indirect.gather [hbm4b:s4+s24], $0x80, s25, s24, $0xb8;
	[tilespmem:$0x1E900] =	vst v63  }
0x72: {  	s12 =	smov.u32 s0  }
0x73: {  	p0 =	sne.s32 s0, $0x4C0;
	s0 =	sadd.s32 $0x20, s0;
	_ =	swait.ge [sflag:s21], $0x4000  }
0x74: {  	[sflag:s21] =	ssyncset.done $0x0  }
0x75: {  	s13 =	sadd.s32 $0xFFFFFF80, s11;
	[sflag:s21] =	ssyncadd.s32 $0xFFFFC000  }
0x76: {  	[spmem:s2] =	stream.indirect.scatter.add.f32 [tilespmem:s3], [sflag:$0x5], $0x80, s13, s24, $0xb8;
	[tilespmem:$0x1E900] =	vst v63  }
0x77: {  	_ =	swait.ge [sflag:s29], $0x4000  }
0x78: {  	[sflag:s29] =	ssyncset.done $0x0  }
0x79: {  	[sflag:s29] =	ssyncadd.s32 $0xFFFFC000  }
0x7a: {  	[spmem:s2] =	stream.indirect.scatter.add.f32 [tilespmem:s28], [sflag:$0x6], $0x80, s11, s24, $0xb8;
	[tilespmem:$0x1E900] =	vst v63  }
0x7b: {  	s13 =	sadd.s32 s12, s20  }
0x7c: {  	[tilespmem:s23], [sflag:$0x3] =	stream.linear.gather [hbm4b:s13+s3], $0x80, $0x38;
	[tilespmem:$0x1E900] =	vst v63  }
0x7d: {  	s12 =	sadd.s32 s12, s19  }
0x7e: {  	[tilespmem:s25], [sflag:$0x4] =	stream.linear.gather [hbm4b:s12+s3], $0x80, $0x38;
	[tilespmem:$0x1E900] =	vst v63  }
0x7f: {  	_ =	swait.ge [sflag:s30], $0x4000  }
0x80: {  	[sflag:s30] =	ssyncset.done $0x0  }
0x81: {  	[sflag:s30] =	ssyncadd.s32 $0xFFFFC000  }
0x82: {  	_ =	swait.ge [sflag:s22], $0x80  }
0x83: {  	[sflag:s22] =	ssyncset.done $0x0  }
0x84: {  	[sflag:s22] =	ssyncadd.s32 $0xFFFFFF80  }
0x85: {  	[tilespmem:s3], [sflag:$0x1] =	stream.indirect.gather [hbm4b:s4+s24], $0x80, s23, s24, $0xb8;
	[tilespmem:$0x1E900] =	vst v63  }
0x86: {  	_ =	swait.ge [sflag:s31], $0x4000  }
.Ltmp3:
0x87: {  	[sflag:s31] =	ssyncset.done $0x0;
	(pc) =	sbr.rel @p0 .LBB2_8-.Ltmp3, $4  }
0x88: {  	[sflag:s31] =	ssyncadd.s32 $0xFFFFC000  }
0x89: {  	_ =	swait.ge [sflag:s26], $0x80  }
0x8a: {  	[sflag:s26] =	ssyncset.done $0x0  }
0x8b: {  	s11 =	sadd.s32 $0x100, s11;
	[sflag:s26] =	ssyncadd.s32 $0xFFFFFF80  }
0x8c: {  	[tilespmem:s28], [sflag:$0x2] =	stream.indirect.gather [hbm4b:s4+s24], $0x80, s25, s24, $0xb8;
	[tilespmem:$0x1E900] =	vst v63  }
0x8d: {  	_ =	swait.ge [sflag:s21], $0x4000  }
0x8e: {  	[sflag:s21] =	ssyncset.done $0x0  }
0x8f: {  	s0 =	simm.s32 $0xA800;
	[sflag:s21] =	ssyncadd.s32 $0xFFFFC000  }
0x90: {  	[spmem:s2] =	stream.indirect.scatter.add.f32 [tilespmem:s3], [sflag:$0x5], $0x80, s0, s24, $0xb8;
	[tilespmem:$0x1E900] =	vst v63  }
0x91: {  	_ =	swait.ge [sflag:s29], $0x4000  }
0x92: {  	[sflag:s29] =	ssyncset.done $0x0  }
0x93: {  	s11 =	simm.s32 $0xA880;
	[sflag:s29] =	ssyncadd.s32 $0xFFFFC000  }
0x94: {  	[spmem:s2] =	stream.indirect.scatter.add.f32 [tilespmem:s28], [sflag:$0x6], $0x80, s11, s24, $0xb8;
	[tilespmem:$0x1E900] =	vst v63  }
0x95: {  	_ =	swait.ge [sflag:s30], $0x4000  }
0x96: {  	[sflag:s30] =	ssyncset.done $0x0  }
0x97: {  	[sflag:s30] =	ssyncadd.s32 $0xFFFFC000  }
0x98: {  	_ =	swait.ge [sflag:s31], $0x4000  }
0x99: {  	[sflag:s31] =	ssyncset.done $0x0  }
0x9a: {  	s12 =	stileid.u32;
	[sflag:s31] =	ssyncadd.s32 $0xFFFFC000  }
0x9b: {  	s0 =	sshll.u32 s12, $0x6;
	[bflag:$0x0] =	sbarrier.arrive $0xFFFF  }
0x9c: {  	s0 =	sor.u32 $0x1C01, s0;
	s11 =	sshrl.u32 s5, $0x3;
	s12 =	rddreg [dreg:$0x5]  }
0x9d: {  	[hbm:s12], [sflag:s0] =	dma.local [spmem:s11], $0x800  }
0x9e: {  	s13 =	sshrl.u32 s6, $0x3;
	s12 =	rddreg [dreg:$0x6]  }
0x9f: {  	[hbm:s12], [sflag:s0] =	dma.local [spmem:s13], $0x800  }
0xa0: {  	s13 =	sshrl.u32 s7, $0x3  }
0xa1: {  	[hbm:s14], [sflag:s0] =	dma.local [spmem:s13], $0x800  }
0xa2: {  	s12 =	sshrl.u32 s8, $0x3;
	s13 =	sshrl.u32 s9, $0x3  }
0xa3: {  	[hbm:s15], [sflag:s0] =	dma.local [spmem:s12], $0x800  }
0xa4: {  	[hbm:s16], [sflag:s0] =	dma.local [spmem:s13], $0x800  }
0xa5: {  	_ =	swait.ge [sflag:s21], $0x800  }
0xa6: {  	[sflag:s21] =	ssyncset.done $0x0  }
0xa7: {  	[sflag:s21] =	ssyncadd.s32 $0xFFFFF800  }
0xa8: {  	_ =	swait.ge [sflag:s21], $0x800  }
0xa9: {  	[sflag:s21] =	ssyncset.done $0x0  }
0xaa: {  	[sflag:s21] =	ssyncadd.s32 $0xFFFFF800  }
0xab: {  	_ =	swait.ge [sflag:s21], $0x800  }
0xac: {  	[sflag:s21] =	ssyncset.done $0x0  }
0xad: {  	s1 =	sadd.s32 $0x1, s1;
	[sflag:s21] =	ssyncadd.s32 $0xFFFFF800  }
0xae: {  	p0 =	sne.s32 s1, s17;
	_ =	swait.ge [sflag:s21], $0x800  }
.Ltmp4:
0xaf: {  	[sflag:s21] =	ssyncset.done $0x0;
	(pc) =	sbr.rel @p0 .LBB2_1-.Ltmp4, $4  }
0xb0: {  	[sflag:s21] =	ssyncadd.s32 $0xFFFFF800  }
0xb1: {  	_ =	swait.ge [sflag:s21], $0x800  }
0xb2: {  	[sflag:s21] =	ssyncset.done $0x0  }
0xb3: {  	[sflag:s21] =	ssyncadd.s32 $0xFFFFF800  }
0xb4: {  	_ =	sfence.sel $0x180000  }
0xb5: {  	[bflag:$0x0] =	sbarrier.arrive $0xFFFF  }
0xb6: {  	_ =	strace $0x9000004A  }
0xb7: {  	s0 =	stileid.u32;
	[bflag:$0x2] =	sbarrier.arrive $0xFFFF  }
0xb8: {  	p0 =	sne.s32 s0, $0x0;
	s0 =	rddreg [dreg:$0x3]  }
0xb9: {  	s0 =	sadd.s32 @!p0 $0x100000, s0  }
0xba: {  	[sflag:s0] =	ssyncadd.tile.s32 @!p0 $0x1;
	_ =	shalt  }
.Lfunc_end2:
_tile_overlayer_lowered:
.L_overlay_start_2:
0xbb: {  	(tag) =	ssettag $0x2  }
0xbc: {  	s0 =	rddreg [dreg:$0x0];
	s2 =	stileid.u32  }
0xbd: {  	s1 =	rddreg [dreg:$0x1];
	p0 =	sne.s32 s2, $0x0  }
0xbe: {  	s3 =	rddreg [dreg:$0x2];
	[bflag:$0x3] =	sbarrier.arrive $0xFFFF;
	s2 =	simm.s32 @!p0 $0x1C07  }
0xbf: {  	[timem:s3], [sflag:s2] =	dma.local @!p0 [hbm:s0], s1  }
0xc0: {  	s0 =	simm.s32 @!p0 $0x7  }
0xc1: {  	_ =	swait.ge @!p0 [sflag:s0], s1  }
0xc2: {  	s1 =	ssub.s32 @!p0 $0x0, s1;
	[sflag:s0] =	ssyncset.done @!p0 $0x0  }
0xc3: {  	[sflag:s0] =	ssyncadd.s32 @!p0 s1  }
0xc4: {  	[bflag:$0x3] =	sbarrier.arrive $0xFFFF  }
0xc5: {  	_ =	shalt  }

// kernel: sage_sc_agg_cnt.3.cloned.1.call-start
scs
__scs_entry_jumppad:
0x0: {  	(pc) =	sbr.rel $0x88, $3  }
0x1: {  	(tag) =	ssettag $0x0;
	lr =	simm.s32 $0x1  }
0x2: {  	[smem:$0x3F99] =	sst lr;
	_ =	strace $0xD0000000  }
0x3: {  	_ = 	snop  }
0x4: {  	_ = 	snop  }
0x5: {  	_ = 	snop  }
0x6: {  	_ = 	snop  }
0x7: {  	_ = 	snop  }
__scs_overlays_trampoline_lowered:
0x8: {  	[smem:$0x3FA8] =	sst s0  }
0x9: {  	[smem:$0x3FA9] =	sst s1  }
0xa: {  	[smem:$0x3FAA] =	sst s2  }
0xb: {  	[smem:$0x3FAB] =	sst s3  }
0xc: {  	[smem:$0x3FAC] =	sst s4  }
0xd: {  	[smem:$0x3FAD] =	sst s5  }
0xe: {  	[smem:$0x3FAE] =	sst s6  }
0xf: {  	[smem:$0x3FAF] =	sst s7  }
0x10: {  	[smem:$0x3FB0] =	sst s8  }
0x11: {  	[smem:$0x3FB1] =	sst s9;
	s0 =	simm.s32 @!p0 $0x0  }
0x12: {  	s1 =	sld [smem:$0x3F97];
	s0 =	simm.s32 @p0 $0x1  }
0x13: {  	[smem:$0x3FB2] =	sst s0;
	s0 =	simm.s32 @!p1 $0x0  }
0x14: {  	s2 =	sld [smem:$0x3F96];
	s0 =	simm.s32 @p1 $0x1  }
0x15: {  	[smem:$0x3FB3] =	sst s0;
	s0 =	simm.s32 @!p2 $0x0  }
0x16: {  	s3 =	sld [smem:$0x3FDB];
	s0 =	simm.s32 @p2 $0x1  }
0x17: {  	s4 =	simm.s32 $0x1BF5;
	[smem:$0x3FB5] =	sst s0  }
0x18: {  	s0 =	sld [smem:$0x3F98];
	_ =	swait.ge [sflag:s4], $0x0  }
0x19: {  	s7 =	sld [smem:$0x3F99]  }
0x1a: {  	s8 =	sadd.s32 $0xFFFFE003, lr  }
0x1b: {  	s9 =	sadd.s32 $0xFFFFFEF7, lr;
	s5 =	simm.s32 $0xFFFFFFFF;
	p2 =	slt.u32 s8, $0xFFFFF086  }
0x1c: {  	p1 =	slt.u32 s9, $0xF7A;
	s5 =	simm.s32 @!p2 $0x0  }
0x1d: {  	s5 =	simm.s32 @p1 $0x1;
	p0 =	seq.s32 s7, s2  }
0x1e: {  	s7 =	smul.u32 @!p0 $0xF7A, s2;
	p2 =	seq.s32 @!p0 s5, $0x0  }
0x1f: {  	s9 =	smul.u32 $0xF7A, s1;
	s8 =	simm.s32 @!p0 $0x1BF5;
	p2 =	por !p2, p0  }
0x20: {  	[sflag:s8] =	ssyncset.s32 @!p0 $0xFFFFF086;
	s6 =	sadd.s32 @!p0 s3, s7;
	s7 =	simm.s32 @!p0 $0x108  }
0x21: {  	s3 =	sadd.s32 s3, s9;
	s6 =	sadd.s32 @!p0 $0x88, s6;
	s7 =	simm.s32 @p2 $0x1082  }
0x22: {  	[simem:s7], [sflag:s8] =	dma.local @!p0 [hbm:s6], $0xF7A  }
0x23: {  	s9 =	sor.u32 $0xD0000000, s2;
	s6 =	simm.s32 $0x108;
	_ =	swait.ge @!p0 [sflag:s8], $0x0  }
0x24: {  	s3 =	sadd.s32 $0x88, s3;
	s6 =	simm.s32 @!p1 $0x1082;
	[sflag:s4] =	ssyncset.s32 $0xFFFFF086  }
0x25: {  	[simem:s6], [sflag:s4] =	dma.local [hbm:s3], $0xF7A  }
0x26: {  	[smem:$0x3F99] =	sst s1;
	(tag) =	ssettag s2;
	_ =	strace s9  }
0x27: {  	s1 =	sld [smem:$0x3FA9]  }
0x28: {  	s2 =	sld [smem:$0x3FAA]  }
0x29: {  	s4 =	sld [smem:$0x3FAC]  }
0x2a: {  	p0 =	seq.s32 s5, $0x0;
	s5 =	sld [smem:$0x3FAD]  }
0x2b: {  	s6 =	sld [smem:$0x3FAE]  }
0x2c: {  	s7 =	sld [smem:$0x3FAF]  }
0x2d: {  	s3 =	simm.s32 $0x108;
	s8 =	sld [smem:$0x3FB0]  }
0x2e: {  	s3 =	simm.s32 @!p0 $0x1082;
	s9 =	sld [smem:$0x3FB1]  }
0x2f: {  	lr =	sadd.s32 s0, s3;
	s0 =	sld [smem:$0x3FA8]  }
0x30: {  	s3 =	sld [smem:$0x3FAB]  }
0x31: {  	[smem:$0x3FB4] =	sst s10  }
0x32: {  	s10 =	sld [smem:$0x3FB2];
	_ =	sdelay $0x3  }
0x33: {  	p0 =	seq.s32 s10, $0x1;
	s10 =	sld [smem:$0x3FB4];
	_ =	sdelay $0x3  }
0x34: {  	[smem:$0x3FB4] =	sst s10  }
0x35: {  	s10 =	sld [smem:$0x3FB3];
	_ =	sdelay $0x3  }
0x36: {  	p1 =	seq.s32 s10, $0x1;
	s10 =	sld [smem:$0x3FB4];
	_ =	sdelay $0x3  }
0x37: {  	[smem:$0x3FB4] =	sst s10  }
0x38: {  	s10 =	sld [smem:$0x3FB5]  }
0x39: {  	_ = 	snop;
	(pc) =	sbr.ind lr, $3  }
0x3a: {  	_ = 	snop  }
0x3b: {  	_ = 	snop  }
0x3c: {  	p2 =	seq.s32 s10, $0x1;
	s10 =	sld [smem:$0x3FB4]  }
0x3d: {  	_ =	shalt  }
0x3e: {  	_ =	shalt  }
0x3f: {  	_ =	shalt  }
0x40: {  	_ =	shalt  }
0x41: {  	_ =	shalt  }
0x42: {  	_ =	shalt  }
0x43: {  	_ =	shalt  }
0x44: {  	_ =	shalt  }
0x45: {  	_ =	shalt  }
0x46: {  	_ =	shalt  }
0x47: {  	_ =	shalt  }
0x48: {  	_ =	shalt  }
0x49: {  	_ =	shalt  }
0x4a: {  	_ =	shalt  }
0x4b: {  	_ =	shalt  }
0x4c: {  	_ =	shalt  }
0x4d: {  	_ =	shalt  }
0x4e: {  	_ =	shalt  }
0x4f: {  	_ =	shalt  }
0x50: {  	_ =	shalt  }
0x51: {  	_ =	shalt  }
0x52: {  	_ =	shalt  }
0x53: {  	_ =	shalt  }
0x54: {  	_ =	shalt  }
0x55: {  	_ =	shalt  }
0x56: {  	_ =	shalt  }
0x57: {  	_ =	shalt  }
0x58: {  	_ =	shalt  }
0x59: {  	_ =	shalt  }
0x5a: {  	_ =	shalt  }
0x5b: {  	_ =	shalt  }
0x5c: {  	_ =	shalt  }
0x5d: {  	_ =	shalt  }
0x5e: {  	_ =	shalt  }
0x5f: {  	_ =	shalt  }
0x60: {  	_ =	shalt  }
0x61: {  	_ =	shalt  }
0x62: {  	_ =	shalt  }
0x63: {  	_ =	shalt  }
0x64: {  	_ =	shalt  }
0x65: {  	_ =	shalt  }
0x66: {  	_ =	shalt  }
0x67: {  	_ =	shalt  }
0x68: {  	_ =	shalt  }
0x69: {  	_ =	shalt  }
0x6a: {  	_ =	shalt  }
0x6b: {  	_ =	shalt  }
0x6c: {  	_ =	shalt  }
0x6d: {  	_ =	shalt  }
0x6e: {  	_ =	shalt  }
0x6f: {  	_ =	shalt  }
0x70: {  	_ =	shalt  }
0x71: {  	_ =	shalt  }
0x72: {  	_ =	shalt  }
0x73: {  	_ =	shalt  }
0x74: {  	_ =	shalt  }
0x75: {  	_ =	shalt  }
0x76: {  	_ =	shalt  }
0x77: {  	_ =	shalt  }
0x78: {  	_ =	shalt  }
0x79: {  	_ =	shalt  }
0x7a: {  	_ =	shalt  }
0x7b: {  	_ =	shalt  }
0x7c: {  	_ =	shalt  }
0x7d: {  	_ =	shalt  }
0x7e: {  	_ =	shalt  }
0x7f: {  	_ =	shalt  }
0x80: {  	_ =	shalt  }
0x81: {  	_ =	shalt  }
0x82: {  	_ =	shalt  }
0x83: {  	_ =	shalt  }
0x84: {  	_ =	shalt  }
0x85: {  	_ =	shalt  }
0x86: {  	_ =	shalt  }
0x87: {  	_ =	shalt  }
.Lfunc_end0:
.L_simem_size_0:
called_computation_lowered:
.L_overlay_start_0:
0x88: {  	s2 =	sld [smem:$0x3FD9]  }
0x89: {  	s3 =	sld [smem:$0x3FFE];
	_ =	sdelay $0x1  }
0x8a: {  	s1 =	srdreg.scid  }
0x8b: {  	s0 =	sand.u32 $0x1, s1  }
0x8c: {  	s17 =	sshll.u32 s0, $0xA;
	s2 =	sadd.s32 s3, s2  }
0x8d: {  	s2 =	sadd.s32 s2, s17  }
0x8e: {  	[smem:$0x3FC0] =	sst s2  }
0x8f: {  	_ = 	snop  }
0x90: {  	s2 =	sld [smem:$0x3FD0];
	(tm) =	ssettm $0x1  }
0x91: {  	s18 =	sld [smem:$0x3FFB];
	_ =	sdelay $0x3  }
0x92: {  	_ =	strace s18  }
0x93: {  	s3 =	sld [smem:$0x3FFC];
	_ =	sdelay $0x3  }
0x94: {  	_ =	strace s3  }
0x95: {  	s3 =	sld [smem:$0x3FFD];
	_ =	sdelay $0x3  }
0x96: {  	_ =	strace s3  }
0x97: {  	_ =	strace $0x8FFFFFFF  }
0x98: {  	s19 =	sld [smem:$0x3FDB];
	_ =	sdelay $0x1  }
0x99: {  	s4 =	simm.s32 $_scs_section_size  }
0x9a: {  	s5 =	simm.s32 $_size__tile_overlayer_lowered;
	s6 =	simm.s32 $_tile_overlayer_lowered  }
0x9b: {  	s22 =	simm.s32 $0x1BFF;
	s21 =	sshll.u32 s6, $0x1;
	s3 =	sadd.s32 s4, s19  }
0x9c: {  	s7 =	simm.s32 $0x0;
	s20 =	sshll.u32 s5, $0x1;
	s5 =	sadd.s32 s21, s3  }
0x9d: {  	[timem:s7], [sflag:s22] =	dma.local [hbm:s5], s20  }
0x9e: {  	_ =	swait.ge [sflag:s22], s20  }
0x9f: {  	s4 =	ssub.s32 $0x0, s20;
	[sflag:s22] =	ssyncset.done $0x0  }
0xa0: {  	[sflag:s22] =	ssyncadd.s32 s4;
	_ =	sdelay $0x1  }
0xa1: {  	s23 =	simm.s32 $0x1B8B  }
0xa2: {  	_ =	swait.ge [sflag:s23], $0x1  }
0xa3: {  	[sflag:s23] =	ssyncset.done $0x0  }
0xa4: {  	s25 =	simm.s32 $0x1B8E;
	s24 =	sld [smem:$0x3FFE];
	[sflag:s23] =	ssyncadd.s32 $0xFFFFFFFF  }
0xa5: {  	s26 =	simm.s32 $execute0_lowered;
	[smem:$0x3FD2] =	sst s25  }
0xa6: {  	s5 =	sshll.u32 s26, $0x1;
	_ =	strace $0x80000046;
	[dreg:$0x1] =	wrdreg $0xFFFFFFFF  }
0xa7: {  	s28 =	simm.s32 $_size_execute0_lowered;
	s3 =	sadd.s32 s3, s5;
	[dreg:$0x0] =	wrdreg $0x0  }
0xa8: {  	s5 =	sshll.u32 s28, $0x1;
	[dreg:$0x2] =	wrdreg s3  }
0xa9: {  	[dreg:$0x3] =	wrdreg s5  }
0xaa: {  	[dreg:$0x4] =	wrdreg $0xC0  }
0xab: {  	_ =	task [dreg:s7], $0x5FFFF  }
0xac: {  	[dreg:$0x1] =	wrdreg $0xFFFFFFFF  }
0xad: {  	[dreg:$0x0] =	wrdreg $0x60  }
0xae: {  	[dreg:$0x2] =	wrdreg s24  }
0xaf: {  	[dreg:$0x3] =	wrdreg s2  }
0xb0: {  	[dreg:$0x4] =	wrdreg $0xAC000  }
0xb1: {  	[dreg:$0x5] =	wrdreg $0x1EC000  }
0xb2: {  	[dreg:$0x6] =	wrdreg $0x9  }
0xb3: {  	_ =	task.clear_ibuf [dreg:s7], $0x7FFFF;
	_ =	strace $0x90000046  }
0xb4: {  	s29 =	simm.s32 $0x9;
	_ =	strace $0x80000048  }
0xb5: {  	_ =	swait.ge [sflag:s29], $0x1  }
0xb6: {  	[sflag:s29] =	ssyncadd.s32 $0xFFFFFFFF  }
0xb7: {  	_ =	strace $0x90000048  }
0xb8: {  	_ =	sfence  }
0xb9: {  	s30 =	sld [smem:$0x0];
	_ =	sdelay $0x2  }
0xba: {  	s31 =	sshll.u32 s1, $0xD;
	s1 =	sshrl.u32 s1, $0x2  }
0xbb: {  	s3 =	sand.u32 $0x4000, s31;
	s1 =	sadd.s32 s1, s30  }
0xbc: {  	s0 =	sor.u32 s3, s0;
	s1 =	sshll.u32 s1, $0x11  }
0xbd: {  	s0 =	sor.u32 s1, s0  }
0xbe: {  	s0 =	sadd.s32 $0x8F2B, s0  }
0xbf: {  	[sflag:s0] =	ssyncadd.remote.s32 $0x1  }
0xc0: {  	_ =	sfence.sel $0xFFFF  }
0xc1: {  	[dreg:$0x0] =	wrdreg $0xFFFFFFFF;
	(pc) =	sbr.abs _section_cstart, $3  }
0xc2: {  	[dreg:$0x1] =	wrdreg $0xFFFFFFFF  }
0xc3: {  	_ =	task.clear_ibuf [dreg:s7], $0x2FFFF;
	_ =	strace $0x9FFFFFFF  }
0xc4: {  	(tm) =	ssettm $0x7FFFFFFF  }
0xc5: {  	_ =	shalt  }
tec
execute0_lowered:
.L_overlay_start_1:
0x0: {  	(tag) =	ssettag $0x1  }
0x1: {  	s1 =	rddreg [dreg:$0x0]  }
0x2: {  	s0 =	rddreg [dreg:$0x1]  }
0x3: {  	s2 =	rddreg [dreg:$0x2]  }
0x4: {  	s4 =	srdreg.scid;
	s22 =	stileid.u32  }
0x5: {  	s3 =	rddreg [dreg:$0x3];
	s5 =	smul.u32 $0x5000, s22  }
0x6: {  	s28 =	simm.s32 $0x7;
	s29 =	simm.s32 $0x8000;
	s17 =	smul.u32 $0x500, s22  }
0x7: {  	s30 =	simm.s32 $0x80;
	s31 =	simm.s32 $0x8080;
	s11 =	smul.u32 $0x280, s22  }
0x8: {  	s9 =	sand.u32 $0x1, s4;
	s4 =	simm.s32 $0x0;
	s15 =	smul.u32 $0x50000, s22  }
0x9: {  	s14 =	sadd.s32 $0x34800, s1;
	s10 =	sshll.u32 s22, $0x1;
	s22 =	smul.u32 $0x14000, s22  }
0xa: {  	s6 =	smul.u32 $0x2800, s9;
	[smem:$0x7FF] =	sst s4;
	s8 =	sshll.u32 s9, $0x7  }
0xb: {  	s18 =	ssub.s32 $0x2, s9;
	s20 =	sor.u32 s9, s10;
	_ =	strace $0x80000047  }
0xc: {  	s19 =	sshrl.u32 s18, $0x1;
	s21 =	sshrl.u32 s15, $0x2;
	s23 =	sshll.u32 s11, $0x7  }
0xd: {  	s11 =	sadd.s32 s11, s3;
	s12 =	sadd.s32 s6, s5;
	s5 =	sadd.s32 $0x2800, s1  }
0xe: {  	s6 =	sor.u32 s8, s17;
	s16 =	ssub.s32 s18, s19;
	s17 =	smul.u32 $0x2800, s20  }
0xf: {  	s24 =	sadd.s32 $0x4000, s23;
	s18 =	sadd.s32 $0x8000, s23;
	s19 =	smul.u32 $0x140000, s9  }
0x10: {  	s20 =	sadd.s32 $0xC000, s23;
	s7 =	sshrl.u32 s12, $0x3;
	s6 =	sshrl.u32 s6, $0x3  }
0x11: {  	s8 =	sadd.s32 s18, s2;
	s9 =	sadd.s32 s20, s2;
	s13 =	sadd.s32 s7, s1  }
0x12: {  	s1 =	sadd.s32 s6, s1;
	s6 =	sadd.s32 s21, s2;
	s7 =	sadd.s32 s24, s2  }
0x13: {  	s21 =	sadd.s32 $0x10000, s23;
	s17 =	sshrl.u32 s17, $0x3;
	s22 =	sadd.s32 s22, s19  }
0x14: {  	s15 =	sadd.s32 s19, s24;
	s18 =	sadd.s32 s19, s18;
	s10 =	sadd.s32 s21, s2  }
0x15: {  	s23 =	sadd.s32 s0, s17;
	s25 =	sshrl.u32 s22, $0x3;
	s15 =	sshrl.u32 s15, $0x3  }
0x16: {  	s22 =	sadd.s32 s19, s20;
	s1 =	sadd.s32 $0x84800, s1;
	[dreg:$0x5] =	wrdreg s23  }
0x17: {  	s26 =	sadd.s32 $0x10, s23;
	s17 =	sadd.s32 s14, s25;
	[dreg:$0xc] =	wrdreg s1  }
0x18: {  	s15 =	sadd.s32 s14, s15;
	s23 =	sadd.s32 s19, s21;
	[dreg:$0x6] =	wrdreg s26  }
0x19: {  	s25 =	sor.u32 $0x180, s12;
	s12 =	sor.u32 $0x100, s12;
	[dreg:$0x7] =	wrdreg s17  }
0x1a: {  	s21 =	sadd.s32 $0x2A800, s13;
	s13 =	simm.s32 $0x2;
	[dreg:$0x8] =	wrdreg s15  }
0x1b: {  	s15 =	sshrl.u32 s18, $0x3;
	s17 =	sshrl.u32 s22, $0x3;
	s18 =	sshrl.u32 s23, $0x3  }
0x1c: {  	s26 =	smax.u32 s16, $0x1;
	s1 =	sshrl.u32 s25, $0x3;
	s12 =	sshrl.u32 s12, $0x3  }
0x1d: {  	s25 =	simm.s32 $0x3;
	s16 =	simm.s32 $0x10;
	s15 =	sadd.s32 s14, s15  }
0x1e: {  	s24 =	sadd.s32 s14, s17;
	s14 =	sadd.s32 s14, s18;
	[dreg:$0xd] =	wrdreg s26  }
0x1f: {  	s22 =	sadd.s32 s1, s0;
	s23 =	sadd.s32 s12, s0;
	[dreg:$0x9] =	wrdreg s15  }
0x20: {  	s1 =	simm.s32 $0x4;
	s26 =	simm.s32 $0x4000;
	[dreg:$0xa] =	wrdreg s24  }
0x21: {  	s0 =	simm.s32 $0xA900;
	s17 =	simm.s32 $0x0;
	[dreg:$0xb] =	wrdreg s14  }
0x22: {  	v0 =	vimm.f32 $0.0e+00;
	v1 =	vimm.f32 $1.000000000e+00;
	s24 =	simm.s32 $0x1;
	s14 =	simm.s32 $0x5;
	s15 =	simm.s32 $0x6  }
.LBB2_1:
0x23: {  	s18 =	sand.u32 $0xFE00, s4  }
0x24: {  	s19 =	sand.u32 $0x70, s4;
	s20 =	sshrl.u32 s18, $0x2  }
0x25: {  	s18 =	simm.s32 $0x40;
	s20 =	sor.u32 s19, s20;
	s19 =	simm.s32 $0x0  }
.LBB2_2:
0x26: {  	p0 =	sne.s32 s18, $0xFFC0  }
0x27: {  	[tilespmem:s20+$0x0] =	vst v0;
	s19 =	sadd.s32 $0x10, s19;
	s20 =	smov.u32 s18;
	s18 =	sadd.s32 $0x40, s18  }
.Ltmp0:
0x28: {  	(pc) =	sbr.rel @p0 .LBB2_2-.Ltmp0, $4  }
0x29: {  	_ = 	snop  }
0x2a: {  	s20 =	sand.u32 $0xFE00, s20  }
0x2b: {  	s12 =	sand.u32 $0x70, s19;
	s20 =	sshrl.u32 s20, $0x2  }
0x2c: {  	s20 =	sor.u32 s12, s20  }
0x2d: {  	[tilespmem:s20+$0x0] =	vst v0;
	s18 =	simm.s32 $0x0  }
0x2e: {  	[spmem:s6] =	stream.linear.scatter [tilespmem:s18], [sflag:$0x1], $0x4000, $0x38;
	[tilespmem:$0x1EE80] =	vst v63  }
0x2f: {  	_ = 	snop  }
0x30: {  	[spmem:s7] =	stream.linear.scatter [tilespmem:s18], [sflag:$0x1], $0x4000, $0x38;
	[tilespmem:$0x1EE80] =	vst v63  }
0x31: {  	_ = 	snop  }
0x32: {  	[spmem:s8] =	stream.linear.scatter [tilespmem:s18], [sflag:$0x1], $0x4000, $0x38;
	[tilespmem:$0x1EE80] =	vst v63  }
0x33: {  	_ = 	snop  }
0x34: {  	[spmem:s9] =	stream.linear.scatter [tilespmem:s18], [sflag:$0x1], $0x4000, $0x38;
	[tilespmem:$0x1EE80] =	vst v63  }
0x35: {  	_ = 	snop  }
0x36: {  	[spmem:s10] =	stream.linear.scatter [tilespmem:s18], [sflag:$0x1], $0x4000, $0x38;
	[tilespmem:$0x1EE80] =	vst v63  }
0x37: {  	_ =	swait.ge [sflag:s24], $0x4000  }
0x38: {  	[sflag:s24] =	ssyncset.done $0x0  }
0x39: {  	[sflag:s24] =	ssyncadd.s32 $0xFFFFC000  }
0x3a: {  	_ =	swait.ge [sflag:s24], $0x4000  }
0x3b: {  	[sflag:s24] =	ssyncset.done $0x0  }
0x3c: {  	[sflag:s24] =	ssyncadd.s32 $0xFFFFC000  }
0x3d: {  	_ =	swait.ge [sflag:s24], $0x4000  }
0x3e: {  	[sflag:s24] =	ssyncset.done $0x0  }
0x3f: {  	[sflag:s24] =	ssyncadd.s32 $0xFFFFC000  }
0x40: {  	_ =	swait.ge [sflag:s24], $0x4000  }
0x41: {  	[sflag:s24] =	ssyncset.done $0x0  }
0x42: {  	[sflag:s24] =	ssyncadd.s32 $0xFFFFC000  }
0x43: {  	_ =	swait.ge [sflag:s24], $0x4000  }
0x44: {  	[sflag:s24] =	ssyncset.done $0x0  }
0x45: {  	s19 =	simm.s32 $0x8100;
	[sflag:s24] =	ssyncadd.s32 $0xFFFFC000  }
.LBB2_4:
0x46: {  	p0 =	sne.s32 s18, $0x4F0  }
.Ltmp1:
0x47: {  	_ = 	snop;
	(pc) =	sbr.rel @p0 .LBB2_4-.Ltmp1, $4  }
0x48: {  	_ = 	snop  }
0x49: {  	s12 =	sadd.s32 s18, s21  }
0x4a: {  	[tilespmem:s19], [sflag:$0x3] =	stream.linear.gather [hbm4b:s12+s4], $0x80, $0x38;
	[tilespmem:$0x1EE80] =	vst v63  }
0x4b: {  	s18 =	sadd.s32 $0x10, s18;
	s19 =	sadd.s32 $0x80, s19  }
0x4c: {  	_ =	swait.ge [sflag:s25], $0x80  }
0x4d: {  	s18 =	simm.s32 $0x4F;
	[sflag:s25] =	ssyncset.done $0x0  }
.LBB2_6:
0x4e: {  	p0 =	sne.s32 s18, $0x1;
	s18 =	sadd.s32 $0xFFFFFFFF, s18;
	[sflag:s25] =	ssyncadd.s32 $0xFFFFFF80  }
.Ltmp2:
0x4f: {  	(pc) =	sbr.rel @p0 .LBB2_6-.Ltmp2, $3  }
0x50: {  	_ =	sdelay $0x1  }
0x51: {  	_ =	swait.ge [sflag:s25], $0x80  }
0x52: {  	[sflag:s25] =	ssyncset.done $0x0  }
0x53: {  	[sflag:s25] =	ssyncadd.s32 $0xFFFFFF80  }
0x54: {  	[tilespmem:$0xA900] =	vst v1  }
0x55: {  	[tilespmem:$0xA910] =	vst v1  }
0x56: {  	[tilespmem:$0xA920] =	vst v1  }
0x57: {  	[tilespmem:$0xA930] =	vst v1  }
0x58: {  	[tilespmem:$0xA940] =	vst v1  }
0x59: {  	[tilespmem:$0xA950] =	vst v1  }
0x5a: {  	[tilespmem:$0xA960] =	vst v1  }
0x5b: {  	[tilespmem:$0xA970] =	vst v1  }
0x5c: {  	[tilespmem:$0xA980] =	vst v0  }
0x5d: {  	[tilespmem:$0xA990] =	vst v0  }
0x5e: {  	[tilespmem:$0xA9A0] =	vst v0  }
0x5f: {  	[tilespmem:$0xA9B0] =	vst v0  }
0x60: {  	[tilespmem:$0xA9C0] =	vst v0  }
0x61: {  	[tilespmem:$0xA9D0] =	vst v0  }
0x62: {  	[tilespmem:$0xA9E0] =	vst v0  }
0x63: {  	[tilespmem:$0xA9F0] =	vst v0  }
0x64: {  	[tilespmem:$0xAA00] =	vst v0  }
0x65: {  	[tilespmem:$0xAA10] =	vst v0  }
0x66: {  	[tilespmem:$0xAA20] =	vst v0  }
0x67: {  	[tilespmem:$0xAA30] =	vst v0  }
0x68: {  	[tilespmem:$0xAA40] =	vst v0  }
0x69: {  	[tilespmem:$0xAA50] =	vst v0  }
0x6a: {  	[tilespmem:$0xAA60] =	vst v0  }
0x6b: {  	[tilespmem:$0xAA70] =	vst v0  }
0x6c: {  	[tilespmem:$0xAA80] =	vst v0  }
0x6d: {  	[tilespmem:$0xAA90] =	vst v0  }
0x6e: {  	[tilespmem:$0xAAA0] =	vst v0  }
0x6f: {  	[tilespmem:$0xAAB0] =	vst v0  }
0x70: {  	[tilespmem:$0xAAC0] =	vst v0  }
0x71: {  	[tilespmem:$0xAAD0] =	vst v0  }
0x72: {  	[tilespmem:$0xAAE0] =	vst v0  }
0x73: {  	[tilespmem:$0xAAF0] =	vst v0  }
0x74: {  	[tilespmem:$0xAB00] =	vst v0  }
0x75: {  	[tilespmem:$0xAB10] =	vst v0  }
0x76: {  	[tilespmem:$0xAB20] =	vst v0  }
0x77: {  	[tilespmem:$0xAB30] =	vst v0  }
0x78: {  	[tilespmem:$0xAB40] =	vst v0  }
0x79: {  	[tilespmem:$0xAB50] =	vst v0  }
0x7a: {  	[tilespmem:$0xAB60] =	vst v0  }
0x7b: {  	[tilespmem:$0xAB70] =	vst v0  }
0x7c: {  	[tilespmem:$0xAB80] =	vst v0  }
0x7d: {  	[tilespmem:$0xAB90] =	vst v0  }
0x7e: {  	[tilespmem:$0xABA0] =	vst v0  }
0x7f: {  	[tilespmem:$0xABB0] =	vst v0  }
0x80: {  	[tilespmem:$0xABC0] =	vst v0  }
0x81: {  	[tilespmem:$0xABD0] =	vst v0  }
0x82: {  	[tilespmem:$0xABE0] =	vst v0  }
0x83: {  	s12 =	simm.s32 $0xA980;
	[tilespmem:$0xABF0] =	vst v0  }
0x84: {  	[spmem:s11] =	stream.linear.scatter [tilespmem:s12], [sflag:$0x7], $0x280, $0x38;
	[tilespmem:$0x1EE80] =	vst v63  }
0x85: {  	_ =	swait.ge [sflag:s28], $0x280  }
0x86: {  	[sflag:s28] =	ssyncset.done $0x0  }
0x87: {  	[sflag:s28] =	ssyncadd.s32 $0xFFFFFD80  }
0x88: {  	[bflag:$0x0] =	sbarrier.arrive $0xFFFF  }
0x89: {  	s20 =	simm.s32 $0x0;
	s18 =	rddreg [dreg:$0x5]  }
0x8a: {  	[tilespmem:s29], [sflag:$0x3] =	stream.linear.gather [hbm4b:s18+s20], $0x80, $0x38;
	[tilespmem:$0x1EE80] =	vst v63  }
0x8b: {  	_ =	swait.ge [sflag:s25], $0x80  }
0x8c: {  	[sflag:s25] =	ssyncset.done $0x0  }
0x8d: {  	[sflag:s25] =	ssyncadd.s32 $0xFFFFFF80  }
0x8e: {  	[tilespmem:s20], [sflag:$0x1] =	stream.indirect.gather [hbm4b:s5+s30], $0x80, s29, s30, $0xb8;
	[tilespmem:$0x1EE80] =	vst v63  }
0x8f: {  	s19 =	rddreg [dreg:$0x6]  }
0x90: {  	[tilespmem:s31], [sflag:$0x4] =	stream.linear.gather [hbm4b:s19+s20], $0x80, $0x38;
	[tilespmem:$0x1EE80] =	vst v63  }
0x91: {  	_ =	swait.ge [sflag:s1], $0x80  }
0x92: {  	[sflag:s1] =	ssyncset.done $0x0  }
0x93: {  	[sflag:s1] =	ssyncadd.s32 $0xFFFFFF80  }
0x94: {  	[tilespmem:s26], [sflag:$0x2] =	stream.indirect.gather [hbm4b:s5+s30], $0x80, s31, s30, $0xb8;
	[tilespmem:$0x1EE80] =	vst v63  }
0x95: {  	_ =	swait.ge [sflag:s24], $0x4000  }
0x96: {  	[sflag:s24] =	ssyncset.done $0x0  }
0x97: {  	s20 =	simm.s32 $0x8100;
	[sflag:s24] =	ssyncadd.s32 $0xFFFFC000  }
0x98: {  	[spmem:s2] =	stream.indirect.scatter.add.f32 [tilespmem:s4], [sflag:$0x5], $0x80, s20, s30, $0xb8;
	[tilespmem:$0x1EE80] =	vst v63  }
0x99: {  	_ = 	snop  }
0x9a: {  	[spmem:s3] =	stream.indirect.scatter.add.f32 [tilespmem:s0], [sflag:$0x5], $0x1, s20, s30, $0xb8;
	[tilespmem:$0x1EE80] =	vst v63  }
0x9b: {  	_ =	swait.ge [sflag:s13], $0x4000  }
0x9c: {  	[sflag:s13] =	ssyncset.done $0x0  }
0x9d: {  	s18 =	simm.s32 $0x8180;
	[sflag:s13] =	ssyncadd.s32 $0xFFFFC000  }
0x9e: {  	[spmem:s2] =	stream.indirect.scatter.add.f32 [tilespmem:s26], [sflag:$0x6], $0x80, s18, s30, $0xb8;
	[tilespmem:$0x1EE80] =	vst v63  }
0x9f: {  	_ = 	snop  }
0xa0: {  	[spmem:s3] =	stream.indirect.scatter.add.f32 [tilespmem:s0], [sflag:$0x6], $0x1, s18, s30, $0xb8;
	[tilespmem:$0x1EE80] =	vst v63  }
0xa1: {  	s19 =	sadd.s32 $0x0, s23  }
0xa2: {  	[tilespmem:s29], [sflag:$0x3] =	stream.linear.gather [hbm4b:s19+s4], $0x80, $0x38;
	[tilespmem:$0x1EE80] =	vst v63  }
0xa3: {  	s20 =	sadd.s32 $0x0, s22  }
0xa4: {  	[tilespmem:s31], [sflag:$0x4] =	stream.linear.gather [hbm4b:s20+s4], $0x80, $0x38;
	[tilespmem:$0x1EE80] =	vst v63  }
0xa5: {  	_ =	swait.ge [sflag:s14], $0x4000  }
0xa6: {  	[sflag:s14] =	ssyncset.done $0x0  }
0xa7: {  	[sflag:s14] =	ssyncadd.s32 $0xFFFFC000  }
0xa8: {  	_ =	swait.ge [sflag:s14], $0x80  }
0xa9: {  	[sflag:s14] =	ssyncset.done $0x0  }
0xaa: {  	[sflag:s14] =	ssyncadd.s32 $0xFFFFFF80  }
0xab: {  	_ =	swait.ge [sflag:s25], $0x80  }
0xac: {  	[sflag:s25] =	ssyncset.done $0x0  }
0xad: {  	[sflag:s25] =	ssyncadd.s32 $0xFFFFFF80  }
0xae: {  	[tilespmem:s4], [sflag:$0x1] =	stream.indirect.gather [hbm4b:s5+s30], $0x80, s29, s30, $0xb8;
	[tilespmem:$0x1EE80] =	vst v63  }
0xaf: {  	_ =	swait.ge [sflag:s15], $0x4000  }
0xb0: {  	[sflag:s15] =	ssyncset.done $0x0  }
0xb1: {  	[sflag:s15] =	ssyncadd.s32 $0xFFFFC000  }
0xb2: {  	_ =	swait.ge [sflag:s15], $0x80  }
0xb3: {  	[sflag:s15] =	ssyncset.done $0x0  }
0xb4: {  	[sflag:s15] =	ssyncadd.s32 $0xFFFFFF80  }
0xb5: {  	_ =	swait.ge [sflag:s1], $0x80  }
0xb6: {  	[sflag:s1] =	ssyncset.done $0x0  }
0xb7: {  	s18 =	simm.s32 $0x20;
	s19 =	simm.s32 $0x8280;
	[sflag:s1] =	ssyncadd.s32 $0xFFFFFF80  }
.LBB2_8:
0xb8: {  	[tilespmem:s26], [sflag:$0x2] =	stream.indirect.gather [hbm4b:s5+s30], $0x80, s31, s30, $0xb8;
	[tilespmem:$0x1EE80] =	vst v63  }
0xb9: {  	s12 =	smov.u32 s18  }
0xba: {  	p0 =	sne.s32 s18, $0x4C0;
	s18 =	sadd.s32 $0x20, s18;
	_ =	swait.ge [sflag:s24], $0x4000  }
0xbb: {  	[sflag:s24] =	ssyncset.done $0x0  }
0xbc: {  	s20 =	sadd.s32 $0xFFFFFF80, s19;
	[sflag:s24] =	ssyncadd.s32 $0xFFFFC000  }
0xbd: {  	[spmem:s2] =	stream.indirect.scatter.add.f32 [tilespmem:s4], [sflag:$0x5], $0x80, s20, s30, $0xb8;
	[tilespmem:$0x1EE80] =	vst v63  }
0xbe: {  	_ = 	snop  }
0xbf: {  	[spmem:s3] =	stream.indirect.scatter.add.f32 [tilespmem:s0], [sflag:$0x5], $0x1, s20, s30, $0xb8;
	[tilespmem:$0x1EE80] =	vst v63  }
0xc0: {  	_ =	swait.ge [sflag:s13], $0x4000  }
0xc1: {  	[sflag:s13] =	ssyncset.done $0x0  }
0xc2: {  	[sflag:s13] =	ssyncadd.s32 $0xFFFFC000  }
0xc3: {  	[spmem:s2] =	stream.indirect.scatter.add.f32 [tilespmem:s26], [sflag:$0x6], $0x80, s19, s30, $0xb8;
	[tilespmem:$0x1EE80] =	vst v63  }
0xc4: {  	_ = 	snop  }
0xc5: {  	[spmem:s3] =	stream.indirect.scatter.add.f32 [tilespmem:s0], [sflag:$0x6], $0x1, s19, s30, $0xb8;
	[tilespmem:$0x1EE80] =	vst v63  }
0xc6: {  	s20 =	sadd.s32 s12, s23  }
0xc7: {  	[tilespmem:s29], [sflag:$0x3] =	stream.linear.gather [hbm4b:s20+s4], $0x80, $0x38;
	[tilespmem:$0x1EE80] =	vst v63  }
0xc8: {  	s12 =	sadd.s32 s12, s22  }
0xc9: {  	[tilespmem:s31], [sflag:$0x4] =	stream.linear.gather [hbm4b:s12+s4], $0x80, $0x38;
	[tilespmem:$0x1EE80] =	vst v63  }
0xca: {  	_ =	swait.ge [sflag:s14], $0x4000  }
0xcb: {  	[sflag:s14] =	ssyncset.done $0x0  }
0xcc: {  	[sflag:s14] =	ssyncadd.s32 $0xFFFFC000  }
0xcd: {  	_ =	swait.ge [sflag:s14], $0x80  }
0xce: {  	[sflag:s14] =	ssyncset.done $0x0  }
0xcf: {  	[sflag:s14] =	ssyncadd.s32 $0xFFFFFF80  }
0xd0: {  	_ =	swait.ge [sflag:s25], $0x80  }
0xd1: {  	[sflag:s25] =	ssyncset.done $0x0  }
0xd2: {  	[sflag:s25] =	ssyncadd.s32 $0xFFFFFF80  }
0xd3: {  	[tilespmem:s4], [sflag:$0x1] =	stream.indirect.gather [hbm4b:s5+s30], $0x80, s29, s30, $0xb8;
	[tilespmem:$0x1EE80] =	vst v63  }
0xd4: {  	_ =	swait.ge [sflag:s15], $0x4000  }
0xd5: {  	[sflag:s15] =	ssyncset.done $0x0  }
0xd6: {  	[sflag:s15] =	ssyncadd.s32 $0xFFFFC000  }
0xd7: {  	_ =	swait.ge [sflag:s15], $0x80  }
.Ltmp3:
0xd8: {  	[sflag:s15] =	ssyncset.done $0x0;
	(pc) =	sbr.rel @p0 .LBB2_8-.Ltmp3, $4  }
0xd9: {  	[sflag:s15] =	ssyncadd.s32 $0xFFFFFF80  }
0xda: {  	_ =	swait.ge [sflag:s1], $0x80  }
0xdb: {  	[sflag:s1] =	ssyncset.done $0x0  }
0xdc: {  	s19 =	sadd.s32 $0x100, s19;
	[sflag:s1] =	ssyncadd.s32 $0xFFFFFF80  }
0xdd: {  	[tilespmem:s26], [sflag:$0x2] =	stream.indirect.gather [hbm4b:s5+s30], $0x80, s31, s30, $0xb8;
	[tilespmem:$0x1EE80] =	vst v63  }
0xde: {  	_ =	swait.ge [sflag:s24], $0x4000  }
0xdf: {  	[sflag:s24] =	ssyncset.done $0x0  }
0xe0: {  	s12 =	simm.s32 $0xA800;
	[sflag:s24] =	ssyncadd.s32 $0xFFFFC000  }
0xe1: {  	[spmem:s2] =	stream.indirect.scatter.add.f32 [tilespmem:s4], [sflag:$0x5], $0x80, s12, s30, $0xb8;
	[tilespmem:$0x1EE80] =	vst v63  }
0xe2: {  	_ = 	snop  }
0xe3: {  	[spmem:s3] =	stream.indirect.scatter.add.f32 [tilespmem:s0], [sflag:$0x5], $0x1, s12, s30, $0xb8;
	[tilespmem:$0x1EE80] =	vst v63  }
0xe4: {  	_ =	swait.ge [sflag:s13], $0x4000  }
0xe5: {  	[sflag:s13] =	ssyncset.done $0x0  }
0xe6: {  	s18 =	simm.s32 $0xA880;
	[sflag:s13] =	ssyncadd.s32 $0xFFFFC000  }
0xe7: {  	[spmem:s2] =	stream.indirect.scatter.add.f32 [tilespmem:s26], [sflag:$0x6], $0x80, s18, s30, $0xb8;
	[tilespmem:$0x1EE80] =	vst v63  }
0xe8: {  	_ = 	snop  }
0xe9: {  	[spmem:s3] =	stream.indirect.scatter.add.f32 [tilespmem:s0], [sflag:$0x6], $0x1, s18, s30, $0xb8;
	[tilespmem:$0x1EE80] =	vst v63  }
0xea: {  	_ =	swait.ge [sflag:s14], $0x4000  }
0xeb: {  	[sflag:s14] =	ssyncset.done $0x0  }
0xec: {  	[sflag:s14] =	ssyncadd.s32 $0xFFFFC000  }
0xed: {  	_ =	swait.ge [sflag:s14], $0x80  }
0xee: {  	[sflag:s14] =	ssyncset.done $0x0  }
0xef: {  	[sflag:s14] =	ssyncadd.s32 $0xFFFFFF80  }
0xf0: {  	_ =	swait.ge [sflag:s15], $0x4000  }
0xf1: {  	[sflag:s15] =	ssyncset.done $0x0  }
0xf2: {  	[sflag:s15] =	ssyncadd.s32 $0xFFFFC000  }
0xf3: {  	_ =	swait.ge [sflag:s15], $0x80  }
0xf4: {  	[sflag:s15] =	ssyncset.done $0x0  }
0xf5: {  	s19 =	stileid.u32;
	[sflag:s15] =	ssyncadd.s32 $0xFFFFFF80  }
0xf6: {  	s12 =	sshll.u32 s19, $0x6;
	[bflag:$0x0] =	sbarrier.arrive $0xFFFF  }
0xf7: {  	s19 =	sshrl.u32 s6, $0x3;
	s18 =	sor.u32 $0x1C01, s12;
	s20 =	rddreg [dreg:$0x7]  }
0xf8: {  	[hbm:s20], [sflag:s18] =	dma.local [spmem:s19], $0x800  }
0xf9: {  	s19 =	sshrl.u32 s7, $0x3;
	s20 =	rddreg [dreg:$0x8]  }
0xfa: {  	[hbm:s20], [sflag:s18] =	dma.local [spmem:s19], $0x800  }
0xfb: {  	s19 =	sshrl.u32 s8, $0x3;
	s20 =	rddreg [dreg:$0x9]  }
0xfc: {  	[hbm:s20], [sflag:s18] =	dma.local [spmem:s19], $0x800  }
0xfd: {  	s19 =	sshrl.u32 s9, $0x3;
	s20 =	rddreg [dreg:$0xa]  }
0xfe: {  	[hbm:s20], [sflag:s18] =	dma.local [spmem:s19], $0x800  }
0xff: {  	s12 =	sor.u32 $0x1C02, s12;
	s19 =	sshrl.u32 s10, $0x3;
	s20 =	rddreg [dreg:$0xb]  }
0x100: {  	[hbm:s20], [sflag:s18] =	dma.local [spmem:s19], $0x800  }
0x101: {  	s18 =	sshrl.u32 s11, $0x3;
	s20 =	simm.s32 $0x20;
	s19 =	rddreg [dreg:$0xc]  }
0x102: {  	[hbm:s19@s20], [sflag:s12] =	dma.strided [spmem:s18@s16], $0x50, s24, $0x10   }
0x103: {  	_ =	swait.ge [sflag:s24], $0x800  }
0x104: {  	[sflag:s24] =	ssyncset.done $0x0  }
0x105: {  	[sflag:s24] =	ssyncadd.s32 $0xFFFFF800  }
0x106: {  	_ =	swait.ge [sflag:s24], $0x800  }
0x107: {  	[sflag:s24] =	ssyncset.done $0x0  }
0x108: {  	[sflag:s24] =	ssyncadd.s32 $0xFFFFF800  }
0x109: {  	_ =	swait.ge [sflag:s24], $0x800  }
0x10a: {  	[sflag:s24] =	ssyncset.done $0x0  }
0x10b: {  	[sflag:s24] =	ssyncadd.s32 $0xFFFFF800  }
0x10c: {  	_ =	swait.ge [sflag:s24], $0x800  }
0x10d: {  	[sflag:s24] =	ssyncset.done $0x0  }
0x10e: {  	[sflag:s24] =	ssyncadd.s32 $0xFFFFF800  }
0x10f: {  	_ =	swait.ge [sflag:s24], $0x800  }
0x110: {  	[sflag:s24] =	ssyncset.done $0x0  }
0x111: {  	[sflag:s24] =	ssyncadd.s32 $0xFFFFF800  }
0x112: {  	_ =	swait.ge [sflag:s13], $0x50  }
0x113: {  	s17 =	sadd.s32 $0x1, s17;
	s20 =	rddreg [dreg:$0xd]  }
0x114: {  	p0 =	sne.s32 s17, s20  }
.Ltmp4:
0x115: {  	_ = 	snop;
	(pc) =	sbr.rel @p0 .LBB2_1-.Ltmp4, $3  }
0x116: {  	_ =	sdelay $0x1  }
0x117: {  	[sflag:s13] =	ssyncset.done $0x0  }
0x118: {  	[sflag:s13] =	ssyncadd.s32 $0xFFFFFFB0  }
0x119: {  	_ =	sfence.sel $0x180000  }
0x11a: {  	[bflag:$0x0] =	sbarrier.arrive $0xFFFF  }
0x11b: {  	_ =	strace $0x90000047  }
0x11c: {  	s0 =	stileid.u32;
	[bflag:$0x2] =	sbarrier.arrive $0xFFFF  }
0x11d: {  	p0 =	sne.s32 s0, $0x0;
	s0 =	rddreg [dreg:$0x4]  }
0x11e: {  	s0 =	sadd.s32 @!p0 $0x100000, s0  }
0x11f: {  	[sflag:s0] =	ssyncadd.tile.s32 @!p0 $0x1;
	_ =	shalt  }
.Lfunc_end2:
_tile_overlayer_lowered:
.L_overlay_start_2:
0x120: {  	(tag) =	ssettag $0x2  }
0x121: {  	s0 =	rddreg [dreg:$0x0];
	s2 =	stileid.u32  }
0x122: {  	s1 =	rddreg [dreg:$0x1];
	p0 =	sne.s32 s2, $0x0  }
0x123: {  	s3 =	rddreg [dreg:$0x2];
	[bflag:$0x3] =	sbarrier.arrive $0xFFFF;
	s2 =	simm.s32 @!p0 $0x1C07  }
0x124: {  	[timem:s3], [sflag:s2] =	dma.local @!p0 [hbm:s0], s1  }
0x125: {  	s0 =	simm.s32 @!p0 $0x7  }
0x126: {  	_ =	swait.ge @!p0 [sflag:s0], s1  }
0x127: {  	s1 =	ssub.s32 @!p0 $0x0, s1;
	[sflag:s0] =	ssyncset.done @!p0 $0x0  }
0x128: {  	[sflag:s0] =	ssyncadd.s32 @!p0 s1  }
0x129: {  	[bflag:$0x3] =	sbarrier.arrive $0xFFFF  }
0x12a: {  	_ =	shalt  }

</sc_bundles>
